<compile_context>
chip_gen: v7x
topology: tpu7x:2x2x1
jax: 0.10.2.dev20260603
libtpu: 0.0.44.dev20260713+nightly
codegen_flags: <defaults>
</compile_context>

<pallas_src>
import functools

import jax
import jax.numpy as jnp
from jax import lax
from jax.experimental import pallas as pl
from jax.experimental.pallas import tpu as pltpu
from jax.experimental.pallas import tpu_sc as plsc

_D = 300
_DP = 384
_HP = 304


def _full(v):
    return jnp.full((16,), v, jnp.int32)


@functools.lru_cache(maxsize=None)
def _emb_lookup(BT, SL, V):
    info = plsc.get_sparse_core_info()
    NC, NS = info.num_cores, info.num_subcores
    NW = NC * NS
    assert BT % (NW * 128) == 0
    NB = BT // NW
    NTIL = _HP // 8
    mesh = plsc.VectorSubcoreMesh(core_axis_name="c", subcore_axis_name="s")

    @functools.partial(
        pl.kernel,
        mesh=mesh,
        out_type=jax.ShapeDtypeStruct((SL, _HP, BT), jnp.float32),
        scratch_types=[
            pltpu.VMEM((NB * SL,), jnp.int32),
            pltpu.VMEM((NB,), jnp.int32),
            pltpu.VMEM((NB, _DP + 1), jnp.float32),
            pltpu.VMEM((NTIL, 8, 128), jnp.float32),
            pltpu.SemaphoreType.DMA,
            pltpu.SemaphoreType.DMA,
        ],
        compiler_params=pltpu.CompilerParams(
            use_tc_tiling_on_sc=True, needs_layout_passes=False),
    )
    def k(idx_hbm, tab_hbm, out_hbm, idx_v, rid_v, gbuf_v, obuf_v,
          sem_g, sem_t):
        wid = lax.axis_index("s") * NC + lax.axis_index("c")
        b0 = wid * NB
        lanes = lax.iota(jnp.int32, 16)
        pltpu.sync_copy(idx_hbm.at[pl.ds(b0 * SL, NB * SL)], idx_v)
        ivecs = [lanes + _full(bg * 16) for bg in range(NB // 16)]

        def body(s, carry):
            sv = _full(1) * s
            for q in range(NB // 16):
                pos = (lanes + _full(q * 16)) * _full(SL) + sv
                rid_v[pl.ds(q * 16, 16)] = plsc.load_gather(idx_v, [pos])

            def tile_body(hb, tcarry):
                h0v = _full(8) * hb
                for hh in range(8):
                    cvec = h0v + _full(hh)
                    for bg in range(NB // 16):
                        val = jnp.full((16,), 1.0, jnp.float32)
                        obuf_v[hb, hh, pl.ds(bg * 16, 16)] = val
                pltpu.async_copy(
                    obuf_v.at[hb],
                    out_hbm.at[s, pl.ds(hb * 8, 8), pl.ds(b0, 128)],
                    sem_t)
                return tcarry

            lax.fori_loop(0, NTIL, tile_body, 0)
            for _ in range(NTIL):
                pltpu.make_async_copy(
                    obuf_v.at[0],
                    out_hbm.at[s, pl.ds(0, 8), pl.ds(b0, 128)],
                    sem_t).wait()
            return carry

        lax.fori_loop(0, SL, body, 0)

    return k


def kernel(sequence, table):
    bt, sl = sequence.shape
    v, d = table.shape
    idx = sequence.reshape(bt * sl).astype(jnp.int32)
    tabp = jnp.pad(table, ((0, 0), (0, _DP - d)))
    out5 = _emb_lookup(bt, sl, v)(idx, tabp)
    return jnp.transpose(out5, (2, 0, 1))[:, :, :d]

# --- scband reference (transcript-rebuilt; emitter-appended) ---
"""Pipeline reference for scband-simple-emb-layer-32504312496809 (READ-ONLY COPY).

The authoritative reference and input builder live on the scoring server;
editing this copy changes nothing except your own understanding.
"""

import jax, jax.numpy as jnp
import numpy as np

VOCAB = 100000
HIDDEN = 300
BATCH = 4096
SEQLEN = 50

def setup_inputs(seed: int = 0) -> dict:
    key = jax.random.key(seed)
    k1, k2 = jax.random.split(key)
    sequence = jax.random.randint(k1, (BATCH, SEQLEN), 0, VOCAB, dtype=jnp.int64 if jax.config.read('jax_enable_x64') else jnp.int32)
    table = jax.random.normal(k2, (VOCAB, HIDDEN), dtype=jnp.float32) * 0.02
    return {"sequence": sequence, "table": table}

def reference(sequence, table):
    # Faithful translation of SimpleEmbLayer.forward.
    # Handle optional 3D input reshape (here input is 2D so no-op, but keep fidelity).
    if sequence.ndim == 3:
        b, gn, sl = sequence.shape
        sequence = sequence.reshape(b * gn, sl)
    # nn.Embedding lookup -> gather rows from table
    sequence_enc = jnp.take(table, sequence, axis=0)
    return sequence_enc

if __name__ == "__main__":
    import jax
    _d = setup_inputs()
    print(jax.jit(kernel)(*tuple(_d.values())))

</pallas_src>

<mosaic_0001>
#map = affine_map<(d0, d1) -> (0)>
#map1 = affine_map<(d0, d1) -> (0, 0)>
#map2 = affine_map<(d0, d1) -> (0, 0, 0)>
module attributes {stable_mosaic.version = 14 : i64} {
  func.func @k(%arg0: i32, %arg1: i32, %arg2: memref<204800xi32, #tpu.memory_space<hbm>>, %arg3: memref<100000x384xf32, #tpu.memory_space<hbm>>, %arg4: memref<50x304x4096xf32, #tpu.memory_space<hbm>>, %arg5: memref<6400xi32, #tpu.memory_space<vmem>>, %arg6: memref<128xi32, #tpu.memory_space<vmem>>, %arg7: memref<128x385xf32, #tpu.memory_space<vmem>>, %arg8: memref<38x8x128xf32, #tpu.memory_space<vmem>>, %arg9: memref<!tpu.dma_semaphore, #tpu.memory_space<semaphore_mem>>, %arg10: memref<!tpu.dma_semaphore, #tpu.memory_space<semaphore_mem>>) attributes {dimension_semantics = [#tpu.dimension_semantics<core_parallel>, #tpu.dimension_semantics<subcore_parallel>], iteration_bounds = array<i64: 2, 16>, scalar_prefetch = 0 : i64, scratch_operands = 6 : i64, tpu.core_type = #tpu.core_type<sc_vector_subcore>, window_params = [{transform_indices = #map}, {transform_indices = #map1}, {transform_indices = #map2}]} {
    %mul3A = arith.constant 2 : i32
    %mul3A_0 = arith.muli %arg1, %mul3A : i32
    %add3A = arith.addi %mul3A_0, %arg0 : i32
    %mul3A_1 = arith.constant 128 : i32
    %mul3A_2 = arith.muli %add3A, %mul3A_1 : i32
    %iota3A = tpu.iota {dimensions = array<i32: 0>} : vector<16xi32>
    %mul3A_3 = arith.constant 50 : i32
    %mul3A_4 = arith.muli %mul3A_2, %mul3A_3 : i32
    "tpu.region"() ({
      %run_scoped3A = tpu.sem_alloc : memref<!tpu.dma_semaphore, #tpu.memory_space<semaphore_mem>>
      %dma_start3A = tpu.memref_slice %arg2[%mul3A_4] : memref<204800xi32, #tpu.memory_space<hbm>> -> memref<6400xi32, #tpu.memory_space<hbm>>
      %dma_start3A_33 = tpu.memref_slice %arg2[%mul3A_4] : memref<204800xi32, #tpu.memory_space<hbm>> -> memref<6400xi32, #tpu.memory_space<hbm>>
      tpu.enqueue_dma source(%dma_start3A_33 : memref<6400xi32, #tpu.memory_space<hbm>>) target(%arg5 : memref<6400xi32, #tpu.memory_space<vmem>>) target_semaphore(%run_scoped3A : memref<!tpu.dma_semaphore, #tpu.memory_space<semaphore_mem>>)
      %dma_wait3A = tpu.memref_slice %arg2[%mul3A_4] : memref<204800xi32, #tpu.memory_space<hbm>> -> memref<6400xi32, #tpu.memory_space<hbm>>
      %dma_wait3A_34 = tpu.memref_slice %arg2[%mul3A_4] : memref<204800xi32, #tpu.memory_space<hbm>> -> memref<6400xi32, #tpu.memory_space<hbm>>
      tpu.wait_dma2 semaphore(%run_scoped3A : memref<!tpu.dma_semaphore, #tpu.memory_space<semaphore_mem>>) src(%dma_wait3A_34 : memref<6400xi32, #tpu.memory_space<hbm>>) dst(%arg5 : memref<6400xi32, #tpu.memory_space<vmem>>)
      tpu.yield
    }) : () -> ()
    %broadcast_in_dim3A = arith.constant 0 : i32
    %broadcast_in_dim3A_5 = vector.broadcast %broadcast_in_dim3A : i32 to vector<16xi32>
    %add3A_6 = arith.addi %iota3A, %broadcast_in_dim3A_5 : vector<16xi32>
    %broadcast_in_dim3A_7 = arith.constant 16 : i32
    %broadcast_in_dim3A_8 = vector.broadcast %broadcast_in_dim3A_7 : i32 to vector<16xi32>
    %add3A_9 = arith.addi %iota3A, %broadcast_in_dim3A_8 : vector<16xi32>
    %broadcast_in_dim3A_10 = arith.constant 32 : i32
    %broadcast_in_dim3A_11 = vector.broadcast %broadcast_in_dim3A_10 : i32 to vector<16xi32>
    %add3A_12 = arith.addi %iota3A, %broadcast_in_dim3A_11 : vector<16xi32>
    %broadcast_in_dim3A_13 = arith.constant 48 : i32
    %broadcast_in_dim3A_14 = vector.broadcast %broadcast_in_dim3A_13 : i32 to vector<16xi32>
    %add3A_15 = arith.addi %iota3A, %broadcast_in_dim3A_14 : vector<16xi32>
    %broadcast_in_dim3A_16 = arith.constant 64 : i32
    %broadcast_in_dim3A_17 = vector.broadcast %broadcast_in_dim3A_16 : i32 to vector<16xi32>
    %add3A_18 = arith.addi %iota3A, %broadcast_in_dim3A_17 : vector<16xi32>
    %broadcast_in_dim3A_19 = arith.constant 80 : i32
    %broadcast_in_dim3A_20 = vector.broadcast %broadcast_in_dim3A_19 : i32 to vector<16xi32>
    %add3A_21 = arith.addi %iota3A, %broadcast_in_dim3A_20 : vector<16xi32>
    %broadcast_in_dim3A_22 = arith.constant 96 : i32
    %broadcast_in_dim3A_23 = vector.broadcast %broadcast_in_dim3A_22 : i32 to vector<16xi32>
    %add3A_24 = arith.addi %iota3A, %broadcast_in_dim3A_23 : vector<16xi32>
    %broadcast_in_dim3A_25 = arith.constant 112 : i32
    %broadcast_in_dim3A_26 = vector.broadcast %broadcast_in_dim3A_25 : i32 to vector<16xi32>
    %add3A_27 = arith.addi %iota3A, %broadcast_in_dim3A_26 : vector<16xi32>
    %scan3A = arith.constant 0 : i32
    %scan3A_28 = arith.constant 0 : i32
    %scan3A_29 = arith.constant 50 : i32
    %scan3A_30 = arith.addi %scan3A_28, %scan3A_29 : i32
    %scan3A_31 = arith.constant 1 : i32
    scf.for %scan3A_33 = %scan3A_28 to %scan3A_30 step %scan3A_31  : i32 {
      %broadcast_in_dim3A_34 = arith.constant 1 : i32
      %broadcast_in_dim3A_35 = vector.broadcast %broadcast_in_dim3A_34 : i32 to vector<16xi32>
      %mul3A_36 = vector.broadcast %scan3A_33 : i32 to vector<16xi32>
      %mul3A_37 = arith.muli %broadcast_in_dim3A_35, %mul3A_36 : vector<16xi32>
      %broadcast_in_dim3A_38 = arith.constant 0 : i32
      %broadcast_in_dim3A_39 = vector.broadcast %broadcast_in_dim3A_38 : i32 to vector<16xi32>
      %add3A_40 = arith.addi %iota3A, %broadcast_in_dim3A_39 : vector<16xi32>
      %broadcast_in_dim3A_41 = arith.constant 50 : i32
      %broadcast_in_dim3A_42 = vector.broadcast %broadcast_in_dim3A_41 : i32 to vector<16xi32>
      %mul3A_43 = arith.muli %add3A_40, %broadcast_in_dim3A_42 : vector<16xi32>
      %add3A_44 = arith.addi %mul3A_43, %mul3A_37 : vector<16xi32>
      %gather3A = tpu.vector_load_idx %arg5[%add3A_44] : memref<6400xi32, #tpu.memory_space<vmem>>[vector<16xi32>], vector<16xi32>,
      %swap3A = arith.constant 0 : index
      %swap3A_45 = tpu.vector_load %arg6[%swap3A] {strides = array<i32>} : memref<128xi32, #tpu.memory_space<vmem>>, vector<16xi32>,
      tpu.vector_store %arg6[%swap3A], %gather3A {strides = array<i32>} : memref<128xi32, #tpu.memory_space<vmem>>, vector<16xi32>,
      %broadcast_in_dim3A_46 = arith.constant 16 : i32
      %broadcast_in_dim3A_47 = vector.broadcast %broadcast_in_dim3A_46 : i32 to vector<16xi32>
      %add3A_48 = arith.addi %iota3A, %broadcast_in_dim3A_47 : vector<16xi32>
      %broadcast_in_dim3A_49 = arith.constant 50 : i32
      %broadcast_in_dim3A_50 = vector.broadcast %broadcast_in_dim3A_49 : i32 to vector<16xi32>
      %mul3A_51 = arith.muli %add3A_48, %broadcast_in_dim3A_50 : vector<16xi32>
      %add3A_52 = arith.addi %mul3A_51, %mul3A_37 : vector<16xi32>
      %gather3A_53 = tpu.vector_load_idx %arg5[%add3A_52] : memref<6400xi32, #tpu.memory_space<vmem>>[vector<16xi32>], vector<16xi32>,
      %swap3A_54 = arith.constant 16 : index
      %swap3A_55 = tpu.vector_load %arg6[%swap3A_54] {strides = array<i32>} : memref<128xi32, #tpu.memory_space<vmem>>, vector<16xi32>,
      tpu.vector_store %arg6[%swap3A_54], %gather3A_53 {strides = array<i32>} : memref<128xi32, #tpu.memory_space<vmem>>, vector<16xi32>,
      %broadcast_in_dim3A_56 = arith.constant 32 : i32
      %broadcast_in_dim3A_57 = vector.broadcast %broadcast_in_dim3A_56 : i32 to vector<16xi32>
      %add3A_58 = arith.addi %iota3A, %broadcast_in_dim3A_57 : vector<16xi32>
      %broadcast_in_dim3A_59 = arith.constant 50 : i32
      %broadcast_in_dim3A_60 = vector.broadcast %broadcast_in_dim3A_59 : i32 to vector<16xi32>
      %mul3A_61 = arith.muli %add3A_58, %broadcast_in_dim3A_60 : vector<16xi32>
      %add3A_62 = arith.addi %mul3A_61, %mul3A_37 : vector<16xi32>
      %gather3A_63 = tpu.vector_load_idx %arg5[%add3A_62] : memref<6400xi32, #tpu.memory_space<vmem>>[vector<16xi32>], vector<16xi32>,
      %swap3A_64 = arith.constant 32 : index
      %swap3A_65 = tpu.vector_load %arg6[%swap3A_64] {strides = array<i32>} : memref<128xi32, #tpu.memory_space<vmem>>, vector<16xi32>,
      tpu.vector_store %arg6[%swap3A_64], %gather3A_63 {strides = array<i32>} : memref<128xi32, #tpu.memory_space<vmem>>, vector<16xi32>,
      %broadcast_in_dim3A_66 = arith.constant 48 : i32
      %broadcast_in_dim3A_67 = vector.broadcast %broadcast_in_dim3A_66 : i32 to vector<16xi32>
      %add3A_68 = arith.addi %iota3A, %broadcast_in_dim3A_67 : vector<16xi32>
      %broadcast_in_dim3A_69 = arith.constant 50 : i32
      %broadcast_in_dim3A_70 = vector.broadcast %broadcast_in_dim3A_69 : i32 to vector<16xi32>
      %mul3A_71 = arith.muli %add3A_68, %broadcast_in_dim3A_70 : vector<16xi32>
      %add3A_72 = arith.addi %mul3A_71, %mul3A_37 : vector<16xi32>
      %gather3A_73 = tpu.vector_load_idx %arg5[%add3A_72] : memref<6400xi32, #tpu.memory_space<vmem>>[vector<16xi32>], vector<16xi32>,
      %swap3A_74 = arith.constant 48 : index
      %swap3A_75 = tpu.vector_load %arg6[%swap3A_74] {strides = array<i32>} : memref<128xi32, #tpu.memory_space<vmem>>, vector<16xi32>,
      tpu.vector_store %arg6[%swap3A_74], %gather3A_73 {strides = array<i32>} : memref<128xi32, #tpu.memory_space<vmem>>, vector<16xi32>,
      %broadcast_in_dim3A_76 = arith.constant 64 : i32
      %broadcast_in_dim3A_77 = vector.broadcast %broadcast_in_dim3A_76 : i32 to vector<16xi32>
      %add3A_78 = arith.addi %iota3A, %broadcast_in_dim3A_77 : vector<16xi32>
      %broadcast_in_dim3A_79 = arith.constant 50 : i32
      %broadcast_in_dim3A_80 = vector.broadcast %broadcast_in_dim3A_79 : i32 to vector<16xi32>
      %mul3A_81 = arith.muli %add3A_78, %broadcast_in_dim3A_80 : vector<16xi32>
      %add3A_82 = arith.addi %mul3A_81, %mul3A_37 : vector<16xi32>
      %gather3A_83 = tpu.vector_load_idx %arg5[%add3A_82] : memref<6400xi32, #tpu.memory_space<vmem>>[vector<16xi32>], vector<16xi32>,
      %swap3A_84 = arith.constant 64 : index
      %swap3A_85 = tpu.vector_load %arg6[%swap3A_84] {strides = array<i32>} : memref<128xi32, #tpu.memory_space<vmem>>, vector<16xi32>,
      tpu.vector_store %arg6[%swap3A_84], %gather3A_83 {strides = array<i32>} : memref<128xi32, #tpu.memory_space<vmem>>, vector<16xi32>,
      %broadcast_in_dim3A_86 = arith.constant 80 : i32
      %broadcast_in_dim3A_87 = vector.broadcast %broadcast_in_dim3A_86 : i32 to vector<16xi32>
      %add3A_88 = arith.addi %iota3A, %broadcast_in_dim3A_87 : vector<16xi32>
      %broadcast_in_dim3A_89 = arith.constant 50 : i32
      %broadcast_in_dim3A_90 = vector.broadcast %broadcast_in_dim3A_89 : i32 to vector<16xi32>
      %mul3A_91 = arith.muli %add3A_88, %broadcast_in_dim3A_90 : vector<16xi32>
      %add3A_92 = arith.addi %mul3A_91, %mul3A_37 : vector<16xi32>
      %gather3A_93 = tpu.vector_load_idx %arg5[%add3A_92] : memref<6400xi32, #tpu.memory_space<vmem>>[vector<16xi32>], vector<16xi32>,
      %swap3A_94 = arith.constant 80 : index
      %swap3A_95 = tpu.vector_load %arg6[%swap3A_94] {strides = array<i32>} : memref<128xi32, #tpu.memory_space<vmem>>, vector<16xi32>,
      tpu.vector_store %arg6[%swap3A_94], %gather3A_93 {strides = array<i32>} : memref<128xi32, #tpu.memory_space<vmem>>, vector<16xi32>,
      %broadcast_in_dim3A_96 = arith.constant 96 : i32
      %broadcast_in_dim3A_97 = vector.broadcast %broadcast_in_dim3A_96 : i32 to vector<16xi32>
      %add3A_98 = arith.addi %iota3A, %broadcast_in_dim3A_97 : vector<16xi32>
      %broadcast_in_dim3A_99 = arith.constant 50 : i32
      %broadcast_in_dim3A_100 = vector.broadcast %broadcast_in_dim3A_99 : i32 to vector<16xi32>
      %mul3A_101 = arith.muli %add3A_98, %broadcast_in_dim3A_100 : vector<16xi32>
      %add3A_102 = arith.addi %mul3A_101, %mul3A_37 : vector<16xi32>
      %gather3A_103 = tpu.vector_load_idx %arg5[%add3A_102] : memref<6400xi32, #tpu.memory_space<vmem>>[vector<16xi32>], vector<16xi32>,
      %swap3A_104 = arith.constant 96 : index
      %swap3A_105 = tpu.vector_load %arg6[%swap3A_104] {strides = array<i32>} : memref<128xi32, #tpu.memory_space<vmem>>, vector<16xi32>,
      tpu.vector_store %arg6[%swap3A_104], %gather3A_103 {strides = array<i32>} : memref<128xi32, #tpu.memory_space<vmem>>, vector<16xi32>,
      %broadcast_in_dim3A_106 = arith.constant 112 : i32
      %broadcast_in_dim3A_107 = vector.broadcast %broadcast_in_dim3A_106 : i32 to vector<16xi32>
      %add3A_108 = arith.addi %iota3A, %broadcast_in_dim3A_107 : vector<16xi32>
      %broadcast_in_dim3A_109 = arith.constant 50 : i32
      %broadcast_in_dim3A_110 = vector.broadcast %broadcast_in_dim3A_109 : i32 to vector<16xi32>
      %mul3A_111 = arith.muli %add3A_108, %broadcast_in_dim3A_110 : vector<16xi32>
      %add3A_112 = arith.addi %mul3A_111, %mul3A_37 : vector<16xi32>
      %gather3A_113 = tpu.vector_load_idx %arg5[%add3A_112] : memref<6400xi32, #tpu.memory_space<vmem>>[vector<16xi32>], vector<16xi32>,
      %swap3A_114 = arith.constant 112 : index
      %swap3A_115 = tpu.vector_load %arg6[%swap3A_114] {strides = array<i32>} : memref<128xi32, #tpu.memory_space<vmem>>, vector<16xi32>,
      tpu.vector_store %arg6[%swap3A_114], %gather3A_113 {strides = array<i32>} : memref<128xi32, #tpu.memory_space<vmem>>, vector<16xi32>,
      %scan3A_116 = arith.constant 0 : i32
      %scan3A_117 = arith.constant 0 : i32
      %scan3A_118 = arith.constant 38 : i32
      %scan3A_119 = arith.addi %scan3A_117, %scan3A_118 : i32
      %scan3A_120 = arith.constant 1 : i32
      scf.for %scan3A_691 = %scan3A_117 to %scan3A_119 step %scan3A_120  : i32 {
        %broadcast_in_dim3A_692 = arith.constant 8 : i32
        %broadcast_in_dim3A_693 = vector.broadcast %broadcast_in_dim3A_692 : i32 to vector<16xi32>
        %mul3A_694 = vector.broadcast %scan3A_691 : i32 to vector<16xi32>
        %mul3A_695 = arith.muli %broadcast_in_dim3A_693, %mul3A_694 : vector<16xi32>
        %broadcast_in_dim3A_696 = arith.constant 0 : i32
        %broadcast_in_dim3A_697 = vector.broadcast %broadcast_in_dim3A_696 : i32 to vector<16xi32>
        %add3A_698 = arith.addi %mul3A_695, %broadcast_in_dim3A_697 : vector<16xi32>
        %broadcast_in_dim3A_699 = arith.constant 1.000000e+00 : f32
        %broadcast_in_dim3A_700 = vector.broadcast %broadcast_in_dim3A_699 : f32 to vector<16xf32>
        %swap3A_701 = arith.constant 0 : i32
        %swap3A_702 = arith.index_cast %scan3A_691 : i32 to index
        %swap3A_703 = arith.index_cast %swap3A_701 : i32 to index
        %swap3A_704 = arith.constant 0 : index
        %swap3A_705 = tpu.vector_load %arg8[%swap3A_702, %swap3A_703, %swap3A_704] {strides = array<i32>} : memref<38x8x128xf32, #tpu.memory_space<vmem>>, vector<16xf32>,
        tpu.vector_store %arg8[%swap3A_702, %swap3A_703, %swap3A_704], %broadcast_in_dim3A_700 {strides = array<i32>} : memref<38x8x128xf32, #tpu.memory_space<vmem>>, vector<16xf32>,
        %broadcast_in_dim3A_706 = arith.constant 1.000000e+00 : f32
        %broadcast_in_dim3A_707 = vector.broadcast %broadcast_in_dim3A_706 : f32 to vector<16xf32>
        %swap3A_708 = arith.constant 0 : i32
        %swap3A_709 = arith.index_cast %scan3A_691 : i32 to index
        %swap3A_710 = arith.index_cast %swap3A_708 : i32 to index
        %swap3A_711 = arith.constant 16 : index
        %swap3A_712 = tpu.vector_load %arg8[%swap3A_709, %swap3A_710, %swap3A_711] {strides = array<i32>} : memref<38x8x128xf32, #tpu.memory_space<vmem>>, vector<16xf32>,
        tpu.vector_store %arg8[%swap3A_709, %swap3A_710, %swap3A_711], %broadcast_in_dim3A_707 {strides = array<i32>} : memref<38x8x128xf32, #tpu.memory_space<vmem>>, vector<16xf32>,
        %broadcast_in_dim3A_713 = arith.constant 1.000000e+00 : f32
        %broadcast_in_dim3A_714 = vector.broadcast %broadcast_in_dim3A_713 : f32 to vector<16xf32>
        %swap3A_715 = arith.constant 0 : i32
        %swap3A_716 = arith.index_cast %scan3A_691 : i32 to index
        %swap3A_717 = arith.index_cast %swap3A_715 : i32 to index
        %swap3A_718 = arith.constant 32 : index
        %swap3A_719 = tpu.vector_load %arg8[%swap3A_716, %swap3A_717, %swap3A_718] {strides = array<i32>} : memref<38x8x128xf32, #tpu.memory_space<vmem>>, vector<16xf32>,
        tpu.vector_store %arg8[%swap3A_716, %swap3A_717, %swap3A_718], %broadcast_in_dim3A_714 {strides = array<i32>} : memref<38x8x128xf32, #tpu.memory_space<vmem>>, vector<16xf32>,
        %broadcast_in_dim3A_720 = arith.constant 1.000000e+00 : f32
        %broadcast_in_dim3A_721 = vector.broadcast %broadcast_in_dim3A_720 : f32 to vector<16xf32>
        %swap3A_722 = arith.constant 0 : i32
        %swap3A_723 = arith.index_cast %scan3A_691 : i32 to index
        %swap3A_724 = arith.index_cast %swap3A_722 : i32 to index
        %swap3A_725 = arith.constant 48 : index
        %swap3A_726 = tpu.vector_load %arg8[%swap3A_723, %swap3A_724, %swap3A_725] {strides = array<i32>} : memref<38x8x128xf32, #tpu.memory_space<vmem>>, vector<16xf32>,
        tpu.vector_store %arg8[%swap3A_723, %swap3A_724, %swap3A_725], %broadcast_in_dim3A_721 {strides = array<i32>} : memref<38x8x128xf32, #tpu.memory_space<vmem>>, vector<16xf32>,
        %broadcast_in_dim3A_727 = arith.constant 1.000000e+00 : f32
        %broadcast_in_dim3A_728 = vector.broadcast %broadcast_in_dim3A_727 : f32 to vector<16xf32>
        %swap3A_729 = arith.constant 0 : i32
        %swap3A_730 = arith.index_cast %scan3A_691 : i32 to index
        %swap3A_731 = arith.index_cast %swap3A_729 : i32 to index
        %swap3A_732 = arith.constant 64 : index
        %swap3A_733 = tpu.vector_load %arg8[%swap3A_730, %swap3A_731, %swap3A_732] {strides = array<i32>} : memref<38x8x128xf32, #tpu.memory_space<vmem>>, vector<16xf32>,
        tpu.vector_store %arg8[%swap3A_730, %swap3A_731, %swap3A_732], %broadcast_in_dim3A_728 {strides = array<i32>} : memref<38x8x128xf32, #tpu.memory_space<vmem>>, vector<16xf32>,
        %broadcast_in_dim3A_734 = arith.constant 1.000000e+00 : f32
        %broadcast_in_dim3A_735 = vector.broadcast %broadcast_in_dim3A_734 : f32 to vector<16xf32>
        %swap3A_736 = arith.constant 0 : i32
        %swap3A_737 = arith.index_cast %scan3A_691 : i32 to index
        %swap3A_738 = arith.index_cast %swap3A_736 : i32 to index
        %swap3A_739 = arith.constant 80 : index
        %swap3A_740 = tpu.vector_load %arg8[%swap3A_737, %swap3A_738, %swap3A_739] {strides = array<i32>} : memref<38x8x128xf32, #tpu.memory_space<vmem>>, vector<16xf32>,
        tpu.vector_store %arg8[%swap3A_737, %swap3A_738, %swap3A_739], %broadcast_in_dim3A_735 {strides = array<i32>} : memref<38x8x128xf32, #tpu.memory_space<vmem>>, vector<16xf32>,
        %broadcast_in_dim3A_741 = arith.constant 1.000000e+00 : f32
        %broadcast_in_dim3A_742 = vector.broadcast %broadcast_in_dim3A_741 : f32 to vector<16xf32>
        %swap3A_743 = arith.constant 0 : i32
        %swap3A_744 = arith.index_cast %scan3A_691 : i32 to index
        %swap3A_745 = arith.index_cast %swap3A_743 : i32 to index
        %swap3A_746 = arith.constant 96 : index
        %swap3A_747 = tpu.vector_load %arg8[%swap3A_744, %swap3A_745, %swap3A_746] {strides = array<i32>} : memref<38x8x128xf32, #tpu.memory_space<vmem>>, vector<16xf32>,
        tpu.vector_store %arg8[%swap3A_744, %swap3A_745, %swap3A_746], %broadcast_in_dim3A_742 {strides = array<i32>} : memref<38x8x128xf32, #tpu.memory_space<vmem>>, vector<16xf32>,
        %broadcast_in_dim3A_748 = arith.constant 1.000000e+00 : f32
        %broadcast_in_dim3A_749 = vector.broadcast %broadcast_in_dim3A_748 : f32 to vector<16xf32>
        %swap3A_750 = arith.constant 0 : i32
        %swap3A_751 = arith.index_cast %scan3A_691 : i32 to index
        %swap3A_752 = arith.index_cast %swap3A_750 : i32 to index
        %swap3A_753 = arith.constant 112 : index
        %swap3A_754 = tpu.vector_load %arg8[%swap3A_751, %swap3A_752, %swap3A_753] {strides = array<i32>} : memref<38x8x128xf32, #tpu.memory_space<vmem>>, vector<16xf32>,
        tpu.vector_store %arg8[%swap3A_751, %swap3A_752, %swap3A_753], %broadcast_in_dim3A_749 {strides = array<i32>} : memref<38x8x128xf32, #tpu.memory_space<vmem>>, vector<16xf32>,
        %broadcast_in_dim3A_755 = arith.constant 1 : i32
        %broadcast_in_dim3A_756 = vector.broadcast %broadcast_in_dim3A_755 : i32 to vector<16xi32>
        %add3A_757 = arith.addi %mul3A_695, %broadcast_in_dim3A_756 : vector<16xi32>
        %broadcast_in_dim3A_758 = arith.constant 1.000000e+00 : f32
        %broadcast_in_dim3A_759 = vector.broadcast %broadcast_in_dim3A_758 : f32 to vector<16xf32>
        %swap3A_760 = arith.constant 1 : i32
        %swap3A_761 = arith.index_cast %scan3A_691 : i32 to index
        %swap3A_762 = arith.index_cast %swap3A_760 : i32 to index
        %swap3A_763 = arith.constant 0 : index
        %swap3A_764 = tpu.vector_load %arg8[%swap3A_761, %swap3A_762, %swap3A_763] {strides = array<i32>} : memref<38x8x128xf32, #tpu.memory_space<vmem>>, vector<16xf32>,
        tpu.vector_store %arg8[%swap3A_761, %swap3A_762, %swap3A_763], %broadcast_in_dim3A_759 {strides = array<i32>} : memref<38x8x128xf32, #tpu.memory_space<vmem>>, vector<16xf32>,
        %broadcast_in_dim3A_765 = arith.constant 1.000000e+00 : f32
        %broadcast_in_dim3A_766 = vector.broadcast %broadcast_in_dim3A_765 : f32 to vector<16xf32>
        %swap3A_767 = arith.constant 1 : i32
        %swap3A_768 = arith.index_cast %scan3A_691 : i32 to index
        %swap3A_769 = arith.index_cast %swap3A_767 : i32 to index
        %swap3A_770 = arith.constant 16 : index
        %swap3A_771 = tpu.vector_load %arg8[%swap3A_768, %swap3A_769, %swap3A_770] {strides = array<i32>} : memref<38x8x128xf32, #tpu.memory_space<vmem>>, vector<16xf32>,
        tpu.vector_store %arg8[%swap3A_768, %swap3A_769, %swap3A_770], %broadcast_in_dim3A_766 {strides = array<i32>} : memref<38x8x128xf32, #tpu.memory_space<vmem>>, vector<16xf32>,
        %broadcast_in_dim3A_772 = arith.constant 1.000000e+00 : f32
        %broadcast_in_dim3A_773 = vector.broadcast %broadcast_in_dim3A_772 : f32 to vector<16xf32>
        %swap3A_774 = arith.constant 1 : i32
        %swap3A_775 = arith.index_cast %scan3A_691 : i32 to index
        %swap3A_776 = arith.index_cast %swap3A_774 : i32 to index
        %swap3A_777 = arith.constant 32 : index
        %swap3A_778 = tpu.vector_load %arg8[%swap3A_775, %swap3A_776, %swap3A_777] {strides = array<i32>} : memref<38x8x128xf32, #tpu.memory_space<vmem>>, vector<16xf32>,
        tpu.vector_store %arg8[%swap3A_775, %swap3A_776, %swap3A_777], %broadcast_in_dim3A_773 {strides = array<i32>} : memref<38x8x128xf32, #tpu.memory_space<vmem>>, vector<16xf32>,
        %broadcast_in_dim3A_779 = arith.constant 1.000000e+00 : f32
        %broadcast_in_dim3A_780 = vector.broadcast %broadcast_in_dim3A_779 : f32 to vector<16xf32>
        %swap3A_781 = arith.constant 1 : i32
        %swap3A_782 = arith.index_cast %scan3A_691 : i32 to index
        %swap3A_783 = arith.index_cast %swap3A_781 : i32 to index
        %swap3A_784 = arith.constant 48 : index
        %swap3A_785 = tpu.vector_load %arg8[%swap3A_782, %swap3A_783, %swap3A_784] {strides = array<i32>} : memref<38x8x128xf32, #tpu.memory_space<vmem>>, vector<16xf32>,
        tpu.vector_store %arg8[%swap3A_782, %swap3A_783, %swap3A_784], %broadcast_in_dim3A_780 {strides = array<i32>} : memref<38x8x128xf32, #tpu.memory_space<vmem>>, vector<16xf32>,
        %broadcast_in_dim3A_786 = arith.constant 1.000000e+00 : f32
        %broadcast_in_dim3A_787 = vector.broadcast %broadcast_in_dim3A_786 : f32 to vector<16xf32>
        %swap3A_788 = arith.constant 1 : i32
        %swap3A_789 = arith.index_cast %scan3A_691 : i32 to index
        %swap3A_790 = arith.index_cast %swap3A_788 : i32 to index
        %swap3A_791 = arith.constant 64 : index
        %swap3A_792 = tpu.vector_load %arg8[%swap3A_789, %swap3A_790, %swap3A_791] {strides = array<i32>} : memref<38x8x128xf32, #tpu.memory_space<vmem>>, vector<16xf32>,
        tpu.vector_store %arg8[%swap3A_789, %swap3A_790, %swap3A_791], %broadcast_in_dim3A_787 {strides = array<i32>} : memref<38x8x128xf32, #tpu.memory_space<vmem>>, vector<16xf32>,
        %broadcast_in_dim3A_793 = arith.constant 1.000000e+00 : f32
        %broadcast_in_dim3A_794 = vector.broadcast %broadcast_in_dim3A_793 : f32 to vector<16xf32>
        %swap3A_795 = arith.constant 1 : i32
        %swap3A_796 = arith.index_cast %scan3A_691 : i32 to index
        %swap3A_797 = arith.index_cast %swap3A_795 : i32 to index
        %swap3A_798 = arith.constant 80 : index
        %swap3A_799 = tpu.vector_load %arg8[%swap3A_796, %swap3A_797, %swap3A_798] {strides = array<i32>} : memref<38x8x128xf32, #tpu.memory_space<vmem>>, vector<16xf32>,
        tpu.vector_store %arg8[%swap3A_796, %swap3A_797, %swap3A_798], %broadcast_in_dim3A_794 {strides = array<i32>} : memref<38x8x128xf32, #tpu.memory_space<vmem>>, vector<16xf32>,
        %broadcast_in_dim3A_800 = arith.constant 1.000000e+00 : f32
        %broadcast_in_dim3A_801 = vector.broadcast %broadcast_in_dim3A_800 : f32 to vector<16xf32>
        %swap3A_802 = arith.constant 1 : i32
        %swap3A_803 = arith.index_cast %scan3A_691 : i32 to index
        %swap3A_804 = arith.index_cast %swap3A_802 : i32 to index
        %swap3A_805 = arith.constant 96 : index
        %swap3A_806 = tpu.vector_load %arg8[%swap3A_803, %swap3A_804, %swap3A_805] {strides = array<i32>} : memref<38x8x128xf32, #tpu.memory_space<vmem>>, vector<16xf32>,
        tpu.vector_store %arg8[%swap3A_803, %swap3A_804, %swap3A_805], %broadcast_in_dim3A_801 {strides = array<i32>} : memref<38x8x128xf32, #tpu.memory_space<vmem>>, vector<16xf32>,
        %broadcast_in_dim3A_807 = arith.constant 1.000000e+00 : f32
        %broadcast_in_dim3A_808 = vector.broadcast %broadcast_in_dim3A_807 : f32 to vector<16xf32>
        %swap3A_809 = arith.constant 1 : i32
        %swap3A_810 = arith.index_cast %scan3A_691 : i32 to index
        %swap3A_811 = arith.index_cast %swap3A_809 : i32 to index
        %swap3A_812 = arith.constant 112 : index
        %swap3A_813 = tpu.vector_load %arg8[%swap3A_810, %swap3A_811, %swap3A_812] {strides = array<i32>} : memref<38x8x128xf32, #tpu.memory_space<vmem>>, vector<16xf32>,
        tpu.vector_store %arg8[%swap3A_810, %swap3A_811, %swap3A_812], %broadcast_in_dim3A_808 {strides = array<i32>} : memref<38x8x128xf32, #tpu.memory_space<vmem>>, vector<16xf32>,
        %broadcast_in_dim3A_814 = arith.constant 2 : i32
        %broadcast_in_dim3A_815 = vector.broadcast %broadcast_in_dim3A_814 : i32 to vector<16xi32>
        %add3A_816 = arith.addi %mul3A_695, %broadcast_in_dim3A_815 : vector<16xi32>
        %broadcast_in_dim3A_817 = arith.constant 1.000000e+00 : f32
        %broadcast_in_dim3A_818 = vector.broadcast %broadcast_in_dim3A_817 : f32 to vector<16xf32>
        %swap3A_819 = arith.constant 2 : i32
        %swap3A_820 = arith.index_cast %scan3A_691 : i32 to index
        %swap3A_821 = arith.index_cast %swap3A_819 : i32 to index
        %swap3A_822 = arith.constant 0 : index
        %swap3A_823 = tpu.vector_load %arg8[%swap3A_820, %swap3A_821, %swap3A_822] {strides = array<i32>} : memref<38x8x128xf32, #tpu.memory_space<vmem>>, vector<16xf32>,
        tpu.vector_store %arg8[%swap3A_820, %swap3A_821, %swap3A_822], %broadcast_in_dim3A_818 {strides = array<i32>} : memref<38x8x128xf32, #tpu.memory_space<vmem>>, vector<16xf32>,
        %broadcast_in_dim3A_824 = arith.constant 1.000000e+00 : f32
        %broadcast_in_dim3A_825 = vector.broadcast %broadcast_in_dim3A_824 : f32 to vector<16xf32>
        %swap3A_826 = arith.constant 2 : i32
        %swap3A_827 = arith.index_cast %scan3A_691 : i32 to index
        %swap3A_828 = arith.index_cast %swap3A_826 : i32 to index
        %swap3A_829 = arith.constant 16 : index
        %swap3A_830 = tpu.vector_load %arg8[%swap3A_827, %swap3A_828, %swap3A_829] {strides = array<i32>} : memref<38x8x128xf32, #tpu.memory_space<vmem>>, vector<16xf32>,
        tpu.vector_store %arg8[%swap3A_827, %swap3A_828, %swap3A_829], %broadcast_in_dim3A_825 {strides = array<i32>} : memref<38x8x128xf32, #tpu.memory_space<vmem>>, vector<16xf32>,
        %broadcast_in_dim3A_831 = arith.constant 1.000000e+00 : f32
        %broadcast_in_dim3A_832 = vector.broadcast %broadcast_in_dim3A_831 : f32 to vector<16xf32>
        %swap3A_833 = arith.constant 2 : i32
        %swap3A_834 = arith.index_cast %scan3A_691 : i32 to index
        %swap3A_835 = arith.index_cast %swap3A_833 : i32 to index
        %swap3A_836 = arith.constant 32 : index
        %swap3A_837 = tpu.vector_load %arg8[%swap3A_834, %swap3A_835, %swap3A_836] {strides = array<i32>} : memref<38x8x128xf32, #tpu.memory_space<vmem>>, vector<16xf32>,
        tpu.vector_store %arg8[%swap3A_834, %swap3A_835, %swap3A_836], %broadcast_in_dim3A_832 {strides = array<i32>} : memref<38x8x128xf32, #tpu.memory_space<vmem>>, vector<16xf32>,
        %broadcast_in_dim3A_838 = arith.constant 1.000000e+00 : f32
        %broadcast_in_dim3A_839 = vector.broadcast %broadcast_in_dim3A_838 : f32 to vector<16xf32>
        %swap3A_840 = arith.constant 2 : i32
        %swap3A_841 = arith.index_cast %scan3A_691 : i32 to index
        %swap3A_842 = arith.index_cast %swap3A_840 : i32 to index
        %swap3A_843 = arith.constant 48 : index
        %swap3A_844 = tpu.vector_load %arg8[%swap3A_841, %swap3A_842, %swap3A_843] {strides = array<i32>} : memref<38x8x128xf32, #tpu.memory_space<vmem>>, vector<16xf32>,
        tpu.vector_store %arg8[%swap3A_841, %swap3A_842, %swap3A_843], %broadcast_in_dim3A_839 {strides = array<i32>} : memref<38x8x128xf32, #tpu.memory_space<vmem>>, vector<16xf32>,
        %broadcast_in_dim3A_845 = arith.constant 1.000000e+00 : f32
        %broadcast_in_dim3A_846 = vector.broadcast %broadcast_in_dim3A_845 : f32 to vector<16xf32>
        %swap3A_847 = arith.constant 2 : i32
        %swap3A_848 = arith.index_cast %scan3A_691 : i32 to index
        %swap3A_849 = arith.index_cast %swap3A_847 : i32 to index
        %swap3A_850 = arith.constant 64 : index
        %swap3A_851 = tpu.vector_load %arg8[%swap3A_848, %swap3A_849, %swap3A_850] {strides = array<i32>} : memref<38x8x128xf32, #tpu.memory_space<vmem>>, vector<16xf32>,
        tpu.vector_store %arg8[%swap3A_848, %swap3A_849, %swap3A_850], %broadcast_in_dim3A_846 {strides = array<i32>} : memref<38x8x128xf32, #tpu.memory_space<vmem>>, vector<16xf32>,
        %broadcast_in_dim3A_852 = arith.constant 1.000000e+00 : f32
        %broadcast_in_dim3A_853 = vector.broadcast %broadcast_in_dim3A_852 : f32 to vector<16xf32>
        %swap3A_854 = arith.constant 2 : i32
        %swap3A_855 = arith.index_cast %scan3A_691 : i32 to index
        %swap3A_856 = arith.index_cast %swap3A_854 : i32 to index
        %swap3A_857 = arith.constant 80 : index
        %swap3A_858 = tpu.vector_load %arg8[%swap3A_855, %swap3A_856, %swap3A_857] {strides = array<i32>} : memref<38x8x128xf32, #tpu.memory_space<vmem>>, vector<16xf32>,
        tpu.vector_store %arg8[%swap3A_855, %swap3A_856, %swap3A_857], %broadcast_in_dim3A_853 {strides = array<i32>} : memref<38x8x128xf32, #tpu.memory_space<vmem>>, vector<16xf32>,
        %broadcast_in_dim3A_859 = arith.constant 1.000000e+00 : f32
        %broadcast_in_dim3A_860 = vector.broadcast %broadcast_in_dim3A_859 : f32 to vector<16xf32>
        %swap3A_861 = arith.constant 2 : i32
        %swap3A_862 = arith.index_cast %scan3A_691 : i32 to index
        %swap3A_863 = arith.index_cast %swap3A_861 : i32 to index
        %swap3A_864 = arith.constant 96 : index
        %swap3A_865 = tpu.vector_load %arg8[%swap3A_862, %swap3A_863, %swap3A_864] {strides = array<i32>} : memref<38x8x128xf32, #tpu.memory_space<vmem>>, vector<16xf32>,
        tpu.vector_store %arg8[%swap3A_862, %swap3A_863, %swap3A_864], %broadcast_in_dim3A_860 {strides = array<i32>} : memref<38x8x128xf32, #tpu.memory_space<vmem>>, vector<16xf32>,
        %broadcast_in_dim3A_866 = arith.constant 1.000000e+00 : f32
        %broadcast_in_dim3A_867 = vector.broadcast %broadcast_in_dim3A_866 : f32 to vector<16xf32>
        %swap3A_868 = arith.constant 2 : i32
        %swap3A_869 = arith.index_cast %scan3A_691 : i32 to index
        %swap3A_870 = arith.index_cast %swap3A_868 : i32 to index
        %swap3A_871 = arith.constant 112 : index
        %swap3A_872 = tpu.vector_load %arg8[%swap3A_869, %swap3A_870, %swap3A_871] {strides = array<i32>} : memref<38x8x128xf32, #tpu.memory_space<vmem>>, vector<16xf32>,
        tpu.vector_store %arg8[%swap3A_869, %swap3A_870, %swap3A_871], %broadcast_in_dim3A_867 {strides = array<i32>} : memref<38x8x128xf32, #tpu.memory_space<vmem>>, vector<16xf32>,
        %broadcast_in_dim3A_873 = arith.constant 3 : i32
        %broadcast_in_dim3A_874 = vector.broadcast %broadcast_in_dim3A_873 : i32 to vector<16xi32>
        %add3A_875 = arith.addi %mul3A_695, %broadcast_in_dim3A_874 : vector<16xi32>
        %broadcast_in_dim3A_876 = arith.constant 1.000000e+00 : f32
        %broadcast_in_dim3A_877 = vector.broadcast %broadcast_in_dim3A_876 : f32 to vector<16xf32>
        %swap3A_878 = arith.constant 3 : i32
        %swap3A_879 = arith.index_cast %scan3A_691 : i32 to index
        %swap3A_880 = arith.index_cast %swap3A_878 : i32 to index
        %swap3A_881 = arith.constant 0 : index
        %swap3A_882 = tpu.vector_load %arg8[%swap3A_879, %swap3A_880, %swap3A_881] {strides = array<i32>} : memref<38x8x128xf32, #tpu.memory_space<vmem>>, vector<16xf32>,
        tpu.vector_store %arg8[%swap3A_879, %swap3A_880, %swap3A_881], %broadcast_in_dim3A_877 {strides = array<i32>} : memref<38x8x128xf32, #tpu.memory_space<vmem>>, vector<16xf32>,
        %broadcast_in_dim3A_883 = arith.constant 1.000000e+00 : f32
        %broadcast_in_dim3A_884 = vector.broadcast %broadcast_in_dim3A_883 : f32 to vector<16xf32>
        %swap3A_885 = arith.constant 3 : i32
        %swap3A_886 = arith.index_cast %scan3A_691 : i32 to index
        %swap3A_887 = arith.index_cast %swap3A_885 : i32 to index
        %swap3A_888 = arith.constant 16 : index
        %swap3A_889 = tpu.vector_load %arg8[%swap3A_886, %swap3A_887, %swap3A_888] {strides = array<i32>} : memref<38x8x128xf32, #tpu.memory_space<vmem>>, vector<16xf32>,
        tpu.vector_store %arg8[%swap3A_886, %swap3A_887, %swap3A_888], %broadcast_in_dim3A_884 {strides = array<i32>} : memref<38x8x128xf32, #tpu.memory_space<vmem>>, vector<16xf32>,
        %broadcast_in_dim3A_890 = arith.constant 1.000000e+00 : f32
        %broadcast_in_dim3A_891 = vector.broadcast %broadcast_in_dim3A_890 : f32 to vector<16xf32>
        %swap3A_892 = arith.constant 3 : i32
        %swap3A_893 = arith.index_cast %scan3A_691 : i32 to index
        %swap3A_894 = arith.index_cast %swap3A_892 : i32 to index
        %swap3A_895 = arith.constant 32 : index
        %swap3A_896 = tpu.vector_load %arg8[%swap3A_893, %swap3A_894, %swap3A_895] {strides = array<i32>} : memref<38x8x128xf32, #tpu.memory_space<vmem>>, vector<16xf32>,
        tpu.vector_store %arg8[%swap3A_893, %swap3A_894, %swap3A_895], %broadcast_in_dim3A_891 {strides = array<i32>} : memref<38x8x128xf32, #tpu.memory_space<vmem>>, vector<16xf32>,
        %broadcast_in_dim3A_897 = arith.constant 1.000000e+00 : f32
        %broadcast_in_dim3A_898 = vector.broadcast %broadcast_in_dim3A_897 : f32 to vector<16xf32>
        %swap3A_899 = arith.constant 3 : i32
        %swap3A_900 = arith.index_cast %scan3A_691 : i32 to index
        %swap3A_901 = arith.index_cast %swap3A_899 : i32 to index
        %swap3A_902 = arith.constant 48 : index
        %swap3A_903 = tpu.vector_load %arg8[%swap3A_900, %swap3A_901, %swap3A_902] {strides = array<i32>} : memref<38x8x128xf32, #tpu.memory_space<vmem>>, vector<16xf32>,
        tpu.vector_store %arg8[%swap3A_900, %swap3A_901, %swap3A_902], %broadcast_in_dim3A_898 {strides = array<i32>} : memref<38x8x128xf32, #tpu.memory_space<vmem>>, vector<16xf32>,
        %broadcast_in_dim3A_904 = arith.constant 1.000000e+00 : f32
        %broadcast_in_dim3A_905 = vector.broadcast %broadcast_in_dim3A_904 : f32 to vector<16xf32>
        %swap3A_906 = arith.constant 3 : i32
        %swap3A_907 = arith.index_cast %scan3A_691 : i32 to index
        %swap3A_908 = arith.index_cast %swap3A_906 : i32 to index
        %swap3A_909 = arith.constant 64 : index
        %swap3A_910 = tpu.vector_load %arg8[%swap3A_907, %swap3A_908, %swap3A_909] {strides = array<i32>} : memref<38x8x128xf32, #tpu.memory_space<vmem>>, vector<16xf32>,
        tpu.vector_store %arg8[%swap3A_907, %swap3A_908, %swap3A_909], %broadcast_in_dim3A_905 {strides = array<i32>} : memref<38x8x128xf32, #tpu.memory_space<vmem>>, vector<16xf32>,
        %broadcast_in_dim3A_911 = arith.constant 1.000000e+00 : f32
        %broadcast_in_dim3A_912 = vector.broadcast %broadcast_in_dim3A_911 : f32 to vector<16xf32>
        %swap3A_913 = arith.constant 3 : i32
        %swap3A_914 = arith.index_cast %scan3A_691 : i32 to index
        %swap3A_915 = arith.index_cast %swap3A_913 : i32 to index
        %swap3A_916 = arith.constant 80 : index
        %swap3A_917 = tpu.vector_load %arg8[%swap3A_914, %swap3A_915, %swap3A_916] {strides = array<i32>} : memref<38x8x128xf32, #tpu.memory_space<vmem>>, vector<16xf32>,
        tpu.vector_store %arg8[%swap3A_914, %swap3A_915, %swap3A_916], %broadcast_in_dim3A_912 {strides = array<i32>} : memref<38x8x128xf32, #tpu.memory_space<vmem>>, vector<16xf32>,
        %broadcast_in_dim3A_918 = arith.constant 1.000000e+00 : f32
        %broadcast_in_dim3A_919 = vector.broadcast %broadcast_in_dim3A_918 : f32 to vector<16xf32>
        %swap3A_920 = arith.constant 3 : i32
        %swap3A_921 = arith.index_cast %scan3A_691 : i32 to index
        %swap3A_922 = arith.index_cast %swap3A_920 : i32 to index
        %swap3A_923 = arith.constant 96 : index
        %swap3A_924 = tpu.vector_load %arg8[%swap3A_921, %swap3A_922, %swap3A_923] {strides = array<i32>} : memref<38x8x128xf32, #tpu.memory_space<vmem>>, vector<16xf32>,
        tpu.vector_store %arg8[%swap3A_921, %swap3A_922, %swap3A_923], %broadcast_in_dim3A_919 {strides = array<i32>} : memref<38x8x128xf32, #tpu.memory_space<vmem>>, vector<16xf32>,
        %broadcast_in_dim3A_925 = arith.constant 1.000000e+00 : f32
        %broadcast_in_dim3A_926 = vector.broadcast %broadcast_in_dim3A_925 : f32 to vector<16xf32>
        %swap3A_927 = arith.constant 3 : i32
        %swap3A_928 = arith.index_cast %scan3A_691 : i32 to index
        %swap3A_929 = arith.index_cast %swap3A_927 : i32 to index
        %swap3A_930 = arith.constant 112 : index
        %swap3A_931 = tpu.vector_load %arg8[%swap3A_928, %swap3A_929, %swap3A_930] {strides = array<i32>} : memref<38x8x128xf32, #tpu.memory_space<vmem>>, vector<16xf32>,
        tpu.vector_store %arg8[%swap3A_928, %swap3A_929, %swap3A_930], %broadcast_in_dim3A_926 {strides = array<i32>} : memref<38x8x128xf32, #tpu.memory_space<vmem>>, vector<16xf32>,
        %broadcast_in_dim3A_932 = arith.constant 4 : i32
        %broadcast_in_dim3A_933 = vector.broadcast %broadcast_in_dim3A_932 : i32 to vector<16xi32>
        %add3A_934 = arith.addi %mul3A_695, %broadcast_in_dim3A_933 : vector<16xi32>
        %broadcast_in_dim3A_935 = arith.constant 1.000000e+00 : f32
        %broadcast_in_dim3A_936 = vector.broadcast %broadcast_in_dim3A_935 : f32 to vector<16xf32>
        %swap3A_937 = arith.constant 4 : i32
        %swap3A_938 = arith.index_cast %scan3A_691 : i32 to index
        %swap3A_939 = arith.index_cast %swap3A_937 : i32 to index
        %swap3A_940 = arith.constant 0 : index
        %swap3A_941 = tpu.vector_load %arg8[%swap3A_938, %swap3A_939, %swap3A_940] {strides = array<i32>} : memref<38x8x128xf32, #tpu.memory_space<vmem>>, vector<16xf32>,
        tpu.vector_store %arg8[%swap3A_938, %swap3A_939, %swap3A_940], %broadcast_in_dim3A_936 {strides = array<i32>} : memref<38x8x128xf32, #tpu.memory_space<vmem>>, vector<16xf32>,
        %broadcast_in_dim3A_942 = arith.constant 1.000000e+00 : f32
        %broadcast_in_dim3A_943 = vector.broadcast %broadcast_in_dim3A_942 : f32 to vector<16xf32>
        %swap3A_944 = arith.constant 4 : i32
        %swap3A_945 = arith.index_cast %scan3A_691 : i32 to index
        %swap3A_946 = arith.index_cast %swap3A_944 : i32 to index
        %swap3A_947 = arith.constant 16 : index
        %swap3A_948 = tpu.vector_load %arg8[%swap3A_945, %swap3A_946, %swap3A_947] {strides = array<i32>} : memref<38x8x128xf32, #tpu.memory_space<vmem>>, vector<16xf32>,
        tpu.vector_store %arg8[%swap3A_945, %swap3A_946, %swap3A_947], %broadcast_in_dim3A_943 {strides = array<i32>} : memref<38x8x128xf32, #tpu.memory_space<vmem>>, vector<16xf32>,
        %broadcast_in_dim3A_949 = arith.constant 1.000000e+00 : f32
        %broadcast_in_dim3A_950 = vector.broadcast %broadcast_in_dim3A_949 : f32 to vector<16xf32>
        %swap3A_951 = arith.constant 4 : i32
        %swap3A_952 = arith.index_cast %scan3A_691 : i32 to index
        %swap3A_953 = arith.index_cast %swap3A_951 : i32 to index
        %swap3A_954 = arith.constant 32 : index
        %swap3A_955 = tpu.vector_load %arg8[%swap3A_952, %swap3A_953, %swap3A_954] {strides = array<i32>} : memref<38x8x128xf32, #tpu.memory_space<vmem>>, vector<16xf32>,
        tpu.vector_store %arg8[%swap3A_952, %swap3A_953, %swap3A_954], %broadcast_in_dim3A_950 {strides = array<i32>} : memref<38x8x128xf32, #tpu.memory_space<vmem>>, vector<16xf32>,
        %broadcast_in_dim3A_956 = arith.constant 1.000000e+00 : f32
        %broadcast_in_dim3A_957 = vector.broadcast %broadcast_in_dim3A_956 : f32 to vector<16xf32>
        %swap3A_958 = arith.constant 4 : i32
        %swap3A_959 = arith.index_cast %scan3A_691 : i32 to index
        %swap3A_960 = arith.index_cast %swap3A_958 : i32 to index
        %swap3A_961 = arith.constant 48 : index
        %swap3A_962 = tpu.vector_load %arg8[%swap3A_959, %swap3A_960, %swap3A_961] {strides = array<i32>} : memref<38x8x128xf32, #tpu.memory_space<vmem>>, vector<16xf32>,
        tpu.vector_store %arg8[%swap3A_959, %swap3A_960, %swap3A_961], %broadcast_in_dim3A_957 {strides = array<i32>} : memref<38x8x128xf32, #tpu.memory_space<vmem>>, vector<16xf32>,
        %broadcast_in_dim3A_963 = arith.constant 1.000000e+00 : f32
        %broadcast_in_dim3A_964 = vector.broadcast %broadcast_in_dim3A_963 : f32 to vector<16xf32>
        %swap3A_965 = arith.constant 4 : i32
        %swap3A_966 = arith.index_cast %scan3A_691 : i32 to index
        %swap3A_967 = arith.index_cast %swap3A_965 : i32 to index
        %swap3A_968 = arith.constant 64 : index
        %swap3A_969 = tpu.vector_load %arg8[%swap3A_966, %swap3A_967, %swap3A_968] {strides = array<i32>} : memref<38x8x128xf32, #tpu.memory_space<vmem>>, vector<16xf32>,
        tpu.vector_store %arg8[%swap3A_966, %swap3A_967, %swap3A_968], %broadcast_in_dim3A_964 {strides = array<i32>} : memref<38x8x128xf32, #tpu.memory_space<vmem>>, vector<16xf32>,
        %broadcast_in_dim3A_970 = arith.constant 1.000000e+00 : f32
        %broadcast_in_dim3A_971 = vector.broadcast %broadcast_in_dim3A_970 : f32 to vector<16xf32>
        %swap3A_972 = arith.constant 4 : i32
        %swap3A_973 = arith.index_cast %scan3A_691 : i32 to index
        %swap3A_974 = arith.index_cast %swap3A_972 : i32 to index
        %swap3A_975 = arith.constant 80 : index
        %swap3A_976 = tpu.vector_load %arg8[%swap3A_973, %swap3A_974, %swap3A_975] {strides = array<i32>} : memref<38x8x128xf32, #tpu.memory_space<vmem>>, vector<16xf32>,
        tpu.vector_store %arg8[%swap3A_973, %swap3A_974, %swap3A_975], %broadcast_in_dim3A_971 {strides = array<i32>} : memref<38x8x128xf32, #tpu.memory_space<vmem>>, vector<16xf32>,
        %broadcast_in_dim3A_977 = arith.constant 1.000000e+00 : f32
        %broadcast_in_dim3A_978 = vector.broadcast %broadcast_in_dim3A_977 : f32 to vector<16xf32>
        %swap3A_979 = arith.constant 4 : i32
        %swap3A_980 = arith.index_cast %scan3A_691 : i32 to index
        %swap3A_981 = arith.index_cast %swap3A_979 : i32 to index
        %swap3A_982 = arith.constant 96 : index
        %swap3A_983 = tpu.vector_load %arg8[%swap3A_980, %swap3A_981, %swap3A_982] {strides = array<i32>} : memref<38x8x128xf32, #tpu.memory_space<vmem>>, vector<16xf32>,
        tpu.vector_store %arg8[%swap3A_980, %swap3A_981, %swap3A_982], %broadcast_in_dim3A_978 {strides = array<i32>} : memref<38x8x128xf32, #tpu.memory_space<vmem>>, vector<16xf32>,
        %broadcast_in_dim3A_984 = arith.constant 1.000000e+00 : f32
        %broadcast_in_dim3A_985 = vector.broadcast %broadcast_in_dim3A_984 : f32 to vector<16xf32>
        %swap3A_986 = arith.constant 4 : i32
        %swap3A_987 = arith.index_cast %scan3A_691 : i32 to index
        %swap3A_988 = arith.index_cast %swap3A_986 : i32 to index
        %swap3A_989 = arith.constant 112 : index
        %swap3A_990 = tpu.vector_load %arg8[%swap3A_987, %swap3A_988, %swap3A_989] {strides = array<i32>} : memref<38x8x128xf32, #tpu.memory_space<vmem>>, vector<16xf32>,
        tpu.vector_store %arg8[%swap3A_987, %swap3A_988, %swap3A_989], %broadcast_in_dim3A_985 {strides = array<i32>} : memref<38x8x128xf32, #tpu.memory_space<vmem>>, vector<16xf32>,
        %broadcast_in_dim3A_991 = arith.constant 5 : i32
        %broadcast_in_dim3A_992 = vector.broadcast %broadcast_in_dim3A_991 : i32 to vector<16xi32>
        %add3A_993 = arith.addi %mul3A_695, %broadcast_in_dim3A_992 : vector<16xi32>
        %broadcast_in_dim3A_994 = arith.constant 1.000000e+00 : f32
        %broadcast_in_dim3A_995 = vector.broadcast %broadcast_in_dim3A_994 : f32 to vector<16xf32>
        %swap3A_996 = arith.constant 5 : i32
        %swap3A_997 = arith.index_cast %scan3A_691 : i32 to index
        %swap3A_998 = arith.index_cast %swap3A_996 : i32 to index
        %swap3A_999 = arith.constant 0 : index
        %swap3A_1000 = tpu.vector_load %arg8[%swap3A_997, %swap3A_998, %swap3A_999] {strides = array<i32>} : memref<38x8x128xf32, #tpu.memory_space<vmem>>, vector<16xf32>,
        tpu.vector_store %arg8[%swap3A_997, %swap3A_998, %swap3A_999], %broadcast_in_dim3A_995 {strides = array<i32>} : memref<38x8x128xf32, #tpu.memory_space<vmem>>, vector<16xf32>,
        %broadcast_in_dim3A_1001 = arith.constant 1.000000e+00 : f32
        %broadcast_in_dim3A_1002 = vector.broadcast %broadcast_in_dim3A_1001 : f32 to vector<16xf32>
        %swap3A_1003 = arith.constant 5 : i32
        %swap3A_1004 = arith.index_cast %scan3A_691 : i32 to index
        %swap3A_1005 = arith.index_cast %swap3A_1003 : i32 to index
        %swap3A_1006 = arith.constant 16 : index
        %swap3A_1007 = tpu.vector_load %arg8[%swap3A_1004, %swap3A_1005, %swap3A_1006] {strides = array<i32>} : memref<38x8x128xf32, #tpu.memory_space<vmem>>, vector<16xf32>,
        tpu.vector_store %arg8[%swap3A_1004, %swap3A_1005, %swap3A_1006], %broadcast_in_dim3A_1002 {strides = array<i32>} : memref<38x8x128xf32, #tpu.memory_space<vmem>>, vector<16xf32>,
        %broadcast_in_dim3A_1008 = arith.constant 1.000000e+00 : f32
        %broadcast_in_dim3A_1009 = vector.broadcast %broadcast_in_dim3A_1008 : f32 to vector<16xf32>
        %swap3A_1010 = arith.constant 5 : i32
        %swap3A_1011 = arith.index_cast %scan3A_691 : i32 to index
        %swap3A_1012 = arith.index_cast %swap3A_1010 : i32 to index
        %swap3A_1013 = arith.constant 32 : index
        %swap3A_1014 = tpu.vector_load %arg8[%swap3A_1011, %swap3A_1012, %swap3A_1013] {strides = array<i32>} : memref<38x8x128xf32, #tpu.memory_space<vmem>>, vector<16xf32>,
        tpu.vector_store %arg8[%swap3A_1011, %swap3A_1012, %swap3A_1013], %broadcast_in_dim3A_1009 {strides = array<i32>} : memref<38x8x128xf32, #tpu.memory_space<vmem>>, vector<16xf32>,
        %broadcast_in_dim3A_1015 = arith.constant 1.000000e+00 : f32
        %broadcast_in_dim3A_1016 = vector.broadcast %broadcast_in_dim3A_1015 : f32 to vector<16xf32>
        %swap3A_1017 = arith.constant 5 : i32
        %swap3A_1018 = arith.index_cast %scan3A_691 : i32 to index
        %swap3A_1019 = arith.index_cast %swap3A_1017 : i32 to index
        %swap3A_1020 = arith.constant 48 : index
        %swap3A_1021 = tpu.vector_load %arg8[%swap3A_1018, %swap3A_1019, %swap3A_1020] {strides = array<i32>} : memref<38x8x128xf32, #tpu.memory_space<vmem>>, vector<16xf32>,
        tpu.vector_store %arg8[%swap3A_1018, %swap3A_1019, %swap3A_1020], %broadcast_in_dim3A_1016 {strides = array<i32>} : memref<38x8x128xf32, #tpu.memory_space<vmem>>, vector<16xf32>,
        %broadcast_in_dim3A_1022 = arith.constant 1.000000e+00 : f32
        %broadcast_in_dim3A_1023 = vector.broadcast %broadcast_in_dim3A_1022 : f32 to vector<16xf32>
        %swap3A_1024 = arith.constant 5 : i32
        %swap3A_1025 = arith.index_cast %scan3A_691 : i32 to index
        %swap3A_1026 = arith.index_cast %swap3A_1024 : i32 to index
        %swap3A_1027 = arith.constant 64 : index
        %swap3A_1028 = tpu.vector_load %arg8[%swap3A_1025, %swap3A_1026, %swap3A_1027] {strides = array<i32>} : memref<38x8x128xf32, #tpu.memory_space<vmem>>, vector<16xf32>,
        tpu.vector_store %arg8[%swap3A_1025, %swap3A_1026, %swap3A_1027], %broadcast_in_dim3A_1023 {strides = array<i32>} : memref<38x8x128xf32, #tpu.memory_space<vmem>>, vector<16xf32>,
        %broadcast_in_dim3A_1029 = arith.constant 1.000000e+00 : f32
        %broadcast_in_dim3A_1030 = vector.broadcast %broadcast_in_dim3A_1029 : f32 to vector<16xf32>
        %swap3A_1031 = arith.constant 5 : i32
        %swap3A_1032 = arith.index_cast %scan3A_691 : i32 to index
        %swap3A_1033 = arith.index_cast %swap3A_1031 : i32 to index
        %swap3A_1034 = arith.constant 80 : index
        %swap3A_1035 = tpu.vector_load %arg8[%swap3A_1032, %swap3A_1033, %swap3A_1034] {strides = array<i32>} : memref<38x8x128xf32, #tpu.memory_space<vmem>>, vector<16xf32>,
        tpu.vector_store %arg8[%swap3A_1032, %swap3A_1033, %swap3A_1034], %broadcast_in_dim3A_1030 {strides = array<i32>} : memref<38x8x128xf32, #tpu.memory_space<vmem>>, vector<16xf32>,
        %broadcast_in_dim3A_1036 = arith.constant 1.000000e+00 : f32
        %broadcast_in_dim3A_1037 = vector.broadcast %broadcast_in_dim3A_1036 : f32 to vector<16xf32>
        %swap3A_1038 = arith.constant 5 : i32
        %swap3A_1039 = arith.index_cast %scan3A_691 : i32 to index
        %swap3A_1040 = arith.index_cast %swap3A_1038 : i32 to index
        %swap3A_1041 = arith.constant 96 : index
        %swap3A_1042 = tpu.vector_load %arg8[%swap3A_1039, %swap3A_1040, %swap3A_1041] {strides = array<i32>} : memref<38x8x128xf32, #tpu.memory_space<vmem>>, vector<16xf32>,
        tpu.vector_store %arg8[%swap3A_1039, %swap3A_1040, %swap3A_1041], %broadcast_in_dim3A_1037 {strides = array<i32>} : memref<38x8x128xf32, #tpu.memory_space<vmem>>, vector<16xf32>,
        %broadcast_in_dim3A_1043 = arith.constant 1.000000e+00 : f32
        %broadcast_in_dim3A_1044 = vector.broadcast %broadcast_in_dim3A_1043 : f32 to vector<16xf32>
        %swap3A_1045 = arith.constant 5 : i32
        %swap3A_1046 = arith.index_cast %scan3A_691 : i32 to index
        %swap3A_1047 = arith.index_cast %swap3A_1045 : i32 to index
        %swap3A_1048 = arith.constant 112 : index
        %swap3A_1049 = tpu.vector_load %arg8[%swap3A_1046, %swap3A_1047, %swap3A_1048] {strides = array<i32>} : memref<38x8x128xf32, #tpu.memory_space<vmem>>, vector<16xf32>,
        tpu.vector_store %arg8[%swap3A_1046, %swap3A_1047, %swap3A_1048], %broadcast_in_dim3A_1044 {strides = array<i32>} : memref<38x8x128xf32, #tpu.memory_space<vmem>>, vector<16xf32>,
        %broadcast_in_dim3A_1050 = arith.constant 6 : i32
        %broadcast_in_dim3A_1051 = vector.broadcast %broadcast_in_dim3A_1050 : i32 to vector<16xi32>
        %add3A_1052 = arith.addi %mul3A_695, %broadcast_in_dim3A_1051 : vector<16xi32>
        %broadcast_in_dim3A_1053 = arith.constant 1.000000e+00 : f32
        %broadcast_in_dim3A_1054 = vector.broadcast %broadcast_in_dim3A_1053 : f32 to vector<16xf32>
        %swap3A_1055 = arith.constant 6 : i32
        %swap3A_1056 = arith.index_cast %scan3A_691 : i32 to index
        %swap3A_1057 = arith.index_cast %swap3A_1055 : i32 to index
        %swap3A_1058 = arith.constant 0 : index
        %swap3A_1059 = tpu.vector_load %arg8[%swap3A_1056, %swap3A_1057, %swap3A_1058] {strides = array<i32>} : memref<38x8x128xf32, #tpu.memory_space<vmem>>, vector<16xf32>,
        tpu.vector_store %arg8[%swap3A_1056, %swap3A_1057, %swap3A_1058], %broadcast_in_dim3A_1054 {strides = array<i32>} : memref<38x8x128xf32, #tpu.memory_space<vmem>>, vector<16xf32>,
        %broadcast_in_dim3A_1060 = arith.constant 1.000000e+00 : f32
        %broadcast_in_dim3A_1061 = vector.broadcast %broadcast_in_dim3A_1060 : f32 to vector<16xf32>
        %swap3A_1062 = arith.constant 6 : i32
        %swap3A_1063 = arith.index_cast %scan3A_691 : i32 to index
        %swap3A_1064 = arith.index_cast %swap3A_1062 : i32 to index
        %swap3A_1065 = arith.constant 16 : index
        %swap3A_1066 = tpu.vector_load %arg8[%swap3A_1063, %swap3A_1064, %swap3A_1065] {strides = array<i32>} : memref<38x8x128xf32, #tpu.memory_space<vmem>>, vector<16xf32>,
        tpu.vector_store %arg8[%swap3A_1063, %swap3A_1064, %swap3A_1065], %broadcast_in_dim3A_1061 {strides = array<i32>} : memref<38x8x128xf32, #tpu.memory_space<vmem>>, vector<16xf32>,
        %broadcast_in_dim3A_1067 = arith.constant 1.000000e+00 : f32
        %broadcast_in_dim3A_1068 = vector.broadcast %broadcast_in_dim3A_1067 : f32 to vector<16xf32>
        %swap3A_1069 = arith.constant 6 : i32
        %swap3A_1070 = arith.index_cast %scan3A_691 : i32 to index
        %swap3A_1071 = arith.index_cast %swap3A_1069 : i32 to index
        %swap3A_1072 = arith.constant 32 : index
        %swap3A_1073 = tpu.vector_load %arg8[%swap3A_1070, %swap3A_1071, %swap3A_1072] {strides = array<i32>} : memref<38x8x128xf32, #tpu.memory_space<vmem>>, vector<16xf32>,
        tpu.vector_store %arg8[%swap3A_1070, %swap3A_1071, %swap3A_1072], %broadcast_in_dim3A_1068 {strides = array<i32>} : memref<38x8x128xf32, #tpu.memory_space<vmem>>, vector<16xf32>,
        %broadcast_in_dim3A_1074 = arith.constant 1.000000e+00 : f32
        %broadcast_in_dim3A_1075 = vector.broadcast %broadcast_in_dim3A_1074 : f32 to vector<16xf32>
        %swap3A_1076 = arith.constant 6 : i32
        %swap3A_1077 = arith.index_cast %scan3A_691 : i32 to index
        %swap3A_1078 = arith.index_cast %swap3A_1076 : i32 to index
        %swap3A_1079 = arith.constant 48 : index
        %swap3A_1080 = tpu.vector_load %arg8[%swap3A_1077, %swap3A_1078, %swap3A_1079] {strides = array<i32>} : memref<38x8x128xf32, #tpu.memory_space<vmem>>, vector<16xf32>,
        tpu.vector_store %arg8[%swap3A_1077, %swap3A_1078, %swap3A_1079], %broadcast_in_dim3A_1075 {strides = array<i32>} : memref<38x8x128xf32, #tpu.memory_space<vmem>>, vector<16xf32>,
        %broadcast_in_dim3A_1081 = arith.constant 1.000000e+00 : f32
        %broadcast_in_dim3A_1082 = vector.broadcast %broadcast_in_dim3A_1081 : f32 to vector<16xf32>
        %swap3A_1083 = arith.constant 6 : i32
        %swap3A_1084 = arith.index_cast %scan3A_691 : i32 to index
        %swap3A_1085 = arith.index_cast %swap3A_1083 : i32 to index
        %swap3A_1086 = arith.constant 64 : index
        %swap3A_1087 = tpu.vector_load %arg8[%swap3A_1084, %swap3A_1085, %swap3A_1086] {strides = array<i32>} : memref<38x8x128xf32, #tpu.memory_space<vmem>>, vector<16xf32>,
        tpu.vector_store %arg8[%swap3A_1084, %swap3A_1085, %swap3A_1086], %broadcast_in_dim3A_1082 {strides = array<i32>} : memref<38x8x128xf32, #tpu.memory_space<vmem>>, vector<16xf32>,
        %broadcast_in_dim3A_1088 = arith.constant 1.000000e+00 : f32
        %broadcast_in_dim3A_1089 = vector.broadcast %broadcast_in_dim3A_1088 : f32 to vector<16xf32>
        %swap3A_1090 = arith.constant 6 : i32
        %swap3A_1091 = arith.index_cast %scan3A_691 : i32 to index
        %swap3A_1092 = arith.index_cast %swap3A_1090 : i32 to index
        %swap3A_1093 = arith.constant 80 : index
        %swap3A_1094 = tpu.vector_load %arg8[%swap3A_1091, %swap3A_1092, %swap3A_1093] {strides = array<i32>} : memref<38x8x128xf32, #tpu.memory_space<vmem>>, vector<16xf32>,
        tpu.vector_store %arg8[%swap3A_1091, %swap3A_1092, %swap3A_1093], %broadcast_in_dim3A_1089 {strides = array<i32>} : memref<38x8x128xf32, #tpu.memory_space<vmem>>, vector<16xf32>,
        %broadcast_in_dim3A_1095 = arith.constant 1.000000e+00 : f32
        %broadcast_in_dim3A_1096 = vector.broadcast %broadcast_in_dim3A_1095 : f32 to vector<16xf32>
        %swap3A_1097 = arith.constant 6 : i32
        %swap3A_1098 = arith.index_cast %scan3A_691 : i32 to index
        %swap3A_1099 = arith.index_cast %swap3A_1097 : i32 to index
        %swap3A_1100 = arith.constant 96 : index
        %swap3A_1101 = tpu.vector_load %arg8[%swap3A_1098, %swap3A_1099, %swap3A_1100] {strides = array<i32>} : memref<38x8x128xf32, #tpu.memory_space<vmem>>, vector<16xf32>,
        tpu.vector_store %arg8[%swap3A_1098, %swap3A_1099, %swap3A_1100], %broadcast_in_dim3A_1096 {strides = array<i32>} : memref<38x8x128xf32, #tpu.memory_space<vmem>>, vector<16xf32>,
        %broadcast_in_dim3A_1102 = arith.constant 1.000000e+00 : f32
        %broadcast_in_dim3A_1103 = vector.broadcast %broadcast_in_dim3A_1102 : f32 to vector<16xf32>
        %swap3A_1104 = arith.constant 6 : i32
        %swap3A_1105 = arith.index_cast %scan3A_691 : i32 to index
        %swap3A_1106 = arith.index_cast %swap3A_1104 : i32 to index
        %swap3A_1107 = arith.constant 112 : index
        %swap3A_1108 = tpu.vector_load %arg8[%swap3A_1105, %swap3A_1106, %swap3A_1107] {strides = array<i32>} : memref<38x8x128xf32, #tpu.memory_space<vmem>>, vector<16xf32>,
        tpu.vector_store %arg8[%swap3A_1105, %swap3A_1106, %swap3A_1107], %broadcast_in_dim3A_1103 {strides = array<i32>} : memref<38x8x128xf32, #tpu.memory_space<vmem>>, vector<16xf32>,
        %broadcast_in_dim3A_1109 = arith.constant 7 : i32
        %broadcast_in_dim3A_1110 = vector.broadcast %broadcast_in_dim3A_1109 : i32 to vector<16xi32>
        %add3A_1111 = arith.addi %mul3A_695, %broadcast_in_dim3A_1110 : vector<16xi32>
        %broadcast_in_dim3A_1112 = arith.constant 1.000000e+00 : f32
        %broadcast_in_dim3A_1113 = vector.broadcast %broadcast_in_dim3A_1112 : f32 to vector<16xf32>
        %swap3A_1114 = arith.constant 7 : i32
        %swap3A_1115 = arith.index_cast %scan3A_691 : i32 to index
        %swap3A_1116 = arith.index_cast %swap3A_1114 : i32 to index
        %swap3A_1117 = arith.constant 0 : index
        %swap3A_1118 = tpu.vector_load %arg8[%swap3A_1115, %swap3A_1116, %swap3A_1117] {strides = array<i32>} : memref<38x8x128xf32, #tpu.memory_space<vmem>>, vector<16xf32>,
        tpu.vector_store %arg8[%swap3A_1115, %swap3A_1116, %swap3A_1117], %broadcast_in_dim3A_1113 {strides = array<i32>} : memref<38x8x128xf32, #tpu.memory_space<vmem>>, vector<16xf32>,
        %broadcast_in_dim3A_1119 = arith.constant 1.000000e+00 : f32
        %broadcast_in_dim3A_1120 = vector.broadcast %broadcast_in_dim3A_1119 : f32 to vector<16xf32>
        %swap3A_1121 = arith.constant 7 : i32
        %swap3A_1122 = arith.index_cast %scan3A_691 : i32 to index
        %swap3A_1123 = arith.index_cast %swap3A_1121 : i32 to index
        %swap3A_1124 = arith.constant 16 : index
        %swap3A_1125 = tpu.vector_load %arg8[%swap3A_1122, %swap3A_1123, %swap3A_1124] {strides = array<i32>} : memref<38x8x128xf32, #tpu.memory_space<vmem>>, vector<16xf32>,
        tpu.vector_store %arg8[%swap3A_1122, %swap3A_1123, %swap3A_1124], %broadcast_in_dim3A_1120 {strides = array<i32>} : memref<38x8x128xf32, #tpu.memory_space<vmem>>, vector<16xf32>,
        %broadcast_in_dim3A_1126 = arith.constant 1.000000e+00 : f32
        %broadcast_in_dim3A_1127 = vector.broadcast %broadcast_in_dim3A_1126 : f32 to vector<16xf32>
        %swap3A_1128 = arith.constant 7 : i32
        %swap3A_1129 = arith.index_cast %scan3A_691 : i32 to index
        %swap3A_1130 = arith.index_cast %swap3A_1128 : i32 to index
        %swap3A_1131 = arith.constant 32 : index
        %swap3A_1132 = tpu.vector_load %arg8[%swap3A_1129, %swap3A_1130, %swap3A_1131] {strides = array<i32>} : memref<38x8x128xf32, #tpu.memory_space<vmem>>, vector<16xf32>,
        tpu.vector_store %arg8[%swap3A_1129, %swap3A_1130, %swap3A_1131], %broadcast_in_dim3A_1127 {strides = array<i32>} : memref<38x8x128xf32, #tpu.memory_space<vmem>>, vector<16xf32>,
        %broadcast_in_dim3A_1133 = arith.constant 1.000000e+00 : f32
        %broadcast_in_dim3A_1134 = vector.broadcast %broadcast_in_dim3A_1133 : f32 to vector<16xf32>
        %swap3A_1135 = arith.constant 7 : i32
        %swap3A_1136 = arith.index_cast %scan3A_691 : i32 to index
        %swap3A_1137 = arith.index_cast %swap3A_1135 : i32 to index
        %swap3A_1138 = arith.constant 48 : index
        %swap3A_1139 = tpu.vector_load %arg8[%swap3A_1136, %swap3A_1137, %swap3A_1138] {strides = array<i32>} : memref<38x8x128xf32, #tpu.memory_space<vmem>>, vector<16xf32>,
        tpu.vector_store %arg8[%swap3A_1136, %swap3A_1137, %swap3A_1138], %broadcast_in_dim3A_1134 {strides = array<i32>} : memref<38x8x128xf32, #tpu.memory_space<vmem>>, vector<16xf32>,
        %broadcast_in_dim3A_1140 = arith.constant 1.000000e+00 : f32
        %broadcast_in_dim3A_1141 = vector.broadcast %broadcast_in_dim3A_1140 : f32 to vector<16xf32>
        %swap3A_1142 = arith.constant 7 : i32
        %swap3A_1143 = arith.index_cast %scan3A_691 : i32 to index
        %swap3A_1144 = arith.index_cast %swap3A_1142 : i32 to index
        %swap3A_1145 = arith.constant 64 : index
        %swap3A_1146 = tpu.vector_load %arg8[%swap3A_1143, %swap3A_1144, %swap3A_1145] {strides = array<i32>} : memref<38x8x128xf32, #tpu.memory_space<vmem>>, vector<16xf32>,
        tpu.vector_store %arg8[%swap3A_1143, %swap3A_1144, %swap3A_1145], %broadcast_in_dim3A_1141 {strides = array<i32>} : memref<38x8x128xf32, #tpu.memory_space<vmem>>, vector<16xf32>,
        %broadcast_in_dim3A_1147 = arith.constant 1.000000e+00 : f32
        %broadcast_in_dim3A_1148 = vector.broadcast %broadcast_in_dim3A_1147 : f32 to vector<16xf32>
        %swap3A_1149 = arith.constant 7 : i32
        %swap3A_1150 = arith.index_cast %scan3A_691 : i32 to index
        %swap3A_1151 = arith.index_cast %swap3A_1149 : i32 to index
        %swap3A_1152 = arith.constant 80 : index
        %swap3A_1153 = tpu.vector_load %arg8[%swap3A_1150, %swap3A_1151, %swap3A_1152] {strides = array<i32>} : memref<38x8x128xf32, #tpu.memory_space<vmem>>, vector<16xf32>,
        tpu.vector_store %arg8[%swap3A_1150, %swap3A_1151, %swap3A_1152], %broadcast_in_dim3A_1148 {strides = array<i32>} : memref<38x8x128xf32, #tpu.memory_space<vmem>>, vector<16xf32>,
        %broadcast_in_dim3A_1154 = arith.constant 1.000000e+00 : f32
        %broadcast_in_dim3A_1155 = vector.broadcast %broadcast_in_dim3A_1154 : f32 to vector<16xf32>
        %swap3A_1156 = arith.constant 7 : i32
        %swap3A_1157 = arith.index_cast %scan3A_691 : i32 to index
        %swap3A_1158 = arith.index_cast %swap3A_1156 : i32 to index
        %swap3A_1159 = arith.constant 96 : index
        %swap3A_1160 = tpu.vector_load %arg8[%swap3A_1157, %swap3A_1158, %swap3A_1159] {strides = array<i32>} : memref<38x8x128xf32, #tpu.memory_space<vmem>>, vector<16xf32>,
        tpu.vector_store %arg8[%swap3A_1157, %swap3A_1158, %swap3A_1159], %broadcast_in_dim3A_1155 {strides = array<i32>} : memref<38x8x128xf32, #tpu.memory_space<vmem>>, vector<16xf32>,
        %broadcast_in_dim3A_1161 = arith.constant 1.000000e+00 : f32
        %broadcast_in_dim3A_1162 = vector.broadcast %broadcast_in_dim3A_1161 : f32 to vector<16xf32>
        %swap3A_1163 = arith.constant 7 : i32
        %swap3A_1164 = arith.index_cast %scan3A_691 : i32 to index
        %swap3A_1165 = arith.index_cast %swap3A_1163 : i32 to index
        %swap3A_1166 = arith.constant 112 : index
        %swap3A_1167 = tpu.vector_load %arg8[%swap3A_1164, %swap3A_1165, %swap3A_1166] {strides = array<i32>} : memref<38x8x128xf32, #tpu.memory_space<vmem>>, vector<16xf32>,
        tpu.vector_store %arg8[%swap3A_1164, %swap3A_1165, %swap3A_1166], %broadcast_in_dim3A_1162 {strides = array<i32>} : memref<38x8x128xf32, #tpu.memory_space<vmem>>, vector<16xf32>,
        %mul3A_1168 = arith.constant 8 : i32
        %mul3A_1169 = arith.muli %scan3A_691, %mul3A_1168 : i32
        %dma_start3A = arith.constant 0 : i32
        %dma_start3A_1170 = arith.constant 0 : i32
        %dma_start3A_1171 = tpu.memref_slice %arg8[%scan3A_691, %dma_start3A, %dma_start3A_1170] : memref<38x8x128xf32, #tpu.memory_space<vmem>> -> memref<1x8x128xf32, #tpu.memory_space<vmem>>
        %dma_start3A_1172 = tpu.memref_squeeze %dma_start3A_1171 : memref<1x8x128xf32, #tpu.memory_space<vmem>> -> memref<8x128xf32, #tpu.memory_space<vmem>>
        %dma_start3A_1173 = tpu.memref_slice %arg4[%scan3A_33, %mul3A_1169, %mul3A_2] : memref<50x304x4096xf32, #tpu.memory_space<hbm>> -> memref<1x8x128xf32, #tpu.memory_space<hbm>>
        %dma_start3A_1174 = tpu.memref_squeeze %dma_start3A_1173 : memref<1x8x128xf32, #tpu.memory_space<hbm>> -> memref<8x128xf32, #tpu.memory_space<hbm>>
        %dma_start3A_1175 = tpu.memref_slice %arg4[%scan3A_33, %mul3A_1169, %mul3A_2] : memref<50x304x4096xf32, #tpu.memory_space<hbm>> -> memref<1x8x128xf32, #tpu.memory_space<hbm>>
        %dma_start3A_1176 = tpu.memref_squeeze %dma_start3A_1175 : memref<1x8x128xf32, #tpu.memory_space<hbm>> -> memref<8x128xf32, #tpu.memory_space<hbm>>
        %dma_start3A_1177 = arith.constant 0 : i32
        %dma_start3A_1178 = arith.constant 0 : i32
        %dma_start3A_1179 = tpu.memref_slice %arg8[%scan3A_691, %dma_start3A_1177, %dma_start3A_1178] : memref<38x8x128xf32, #tpu.memory_space<vmem>> -> memref<1x8x128xf32, #tpu.memory_space<vmem>>
        %dma_start3A_1180 = tpu.memref_squeeze %dma_start3A_1179 : memref<1x8x128xf32, #tpu.memory_space<vmem>> -> memref<8x128xf32, #tpu.memory_space<vmem>>
        tpu.enqueue_dma source(%dma_start3A_1180 : memref<8x128xf32, #tpu.memory_space<vmem>>) target(%dma_start3A_1176 : memref<8x128xf32, #tpu.memory_space<hbm>>) target_semaphore(%arg10 : memref<!tpu.dma_semaphore, #tpu.memory_space<semaphore_mem>>)
      }
      %scan3A_121 = arith.constant 38 : i32
      %dma_wait3A = arith.constant 0 : i32
      %dma_wait3A_122 = arith.constant 0 : i32
      %dma_wait3A_123 = arith.constant 0 : i32
      %dma_wait3A_124 = tpu.memref_slice %arg8[%dma_wait3A, %dma_wait3A_122, %dma_wait3A_123] : memref<38x8x128xf32, #tpu.memory_space<vmem>> -> memref<1x8x128xf32, #tpu.memory_space<vmem>>
      %dma_wait3A_125 = tpu.memref_squeeze %dma_wait3A_124 : memref<1x8x128xf32, #tpu.memory_space<vmem>> -> memref<8x128xf32, #tpu.memory_space<vmem>>
      %dma_wait3A_126 = arith.constant 0 : i32
      %dma_wait3A_127 = tpu.memref_slice %arg4[%scan3A_33, %dma_wait3A_126, %mul3A_2] : memref<50x304x4096xf32, #tpu.memory_space<hbm>> -> memref<1x8x128xf32, #tpu.memory_space<hbm>>
      %dma_wait3A_128 = tpu.memref_squeeze %dma_wait3A_127 : memref<1x8x128xf32, #tpu.memory_space<hbm>> -> memref<8x128xf32, #tpu.memory_space<hbm>>
      %dma_wait3A_129 = arith.constant 0 : i32
      %dma_wait3A_130 = tpu.memref_slice %arg4[%scan3A_33, %dma_wait3A_129, %mul3A_2] : memref<50x304x4096xf32, #tpu.memory_space<hbm>> -> memref<1x8x128xf32, #tpu.memory_space<hbm>>
      %dma_wait3A_131 = tpu.memref_squeeze %dma_wait3A_130 : memref<1x8x128xf32, #tpu.memory_space<hbm>> -> memref<8x128xf32, #tpu.memory_space<hbm>>
      %dma_wait3A_132 = arith.constant 0 : i32
      %dma_wait3A_133 = arith.constant 0 : i32
      %dma_wait3A_134 = tpu.memref_slice %arg8[%dma_wait3A, %dma_wait3A_132, %dma_wait3A_133] : memref<38x8x128xf32, #tpu.memory_space<vmem>> -> memref<1x8x128xf32, #tpu.memory_space<vmem>>
      %dma_wait3A_135 = tpu.memref_squeeze %dma_wait3A_134 : memref<1x8x128xf32, #tpu.memory_space<vmem>> -> memref<8x128xf32, #tpu.memory_space<vmem>>
      tpu.wait_dma2 semaphore(%arg10 : memref<!tpu.dma_semaphore, #tpu.memory_space<semaphore_mem>>) src(%dma_wait3A_135 : memref<8x128xf32, #tpu.memory_space<vmem>>) dst(%dma_wait3A_131 : memref<8x128xf32, #tpu.memory_space<hbm>>)
      %dma_wait3A_136 = arith.constant 0 : i32
      %dma_wait3A_137 = arith.constant 0 : i32
      %dma_wait3A_138 = arith.constant 0 : i32
      %dma_wait3A_139 = tpu.memref_slice %arg8[%dma_wait3A_136, %dma_wait3A_137, %dma_wait3A_138] : memref<38x8x128xf32, #tpu.memory_space<vmem>> -> memref<1x8x128xf32, #tpu.memory_space<vmem>>
      %dma_wait3A_140 = tpu.memref_squeeze %dma_wait3A_139 : memref<1x8x128xf32, #tpu.memory_space<vmem>> -> memref<8x128xf32, #tpu.memory_space<vmem>>
      %dma_wait3A_141 = arith.constant 0 : i32
      %dma_wait3A_142 = tpu.memref_slice %arg4[%scan3A_33, %dma_wait3A_141, %mul3A_2] : memref<50x304x4096xf32, #tpu.memory_space<hbm>> -> memref<1x8x128xf32, #tpu.memory_space<hbm>>
      %dma_wait3A_143 = tpu.memref_squeeze %dma_wait3A_142 : memref<1x8x128xf32, #tpu.memory_space<hbm>> -> memref<8x128xf32, #tpu.memory_space<hbm>>
      %dma_wait3A_144 = arith.constant 0 : i32
      %dma_wait3A_145 = tpu.memref_slice %arg4[%scan3A_33, %dma_wait3A_144, %mul3A_2] : memref<50x304x4096xf32, #tpu.memory_space<hbm>> -> memref<1x8x128xf32, #tpu.memory_space<hbm>>
      %dma_wait3A_146 = tpu.memref_squeeze %dma_wait3A_145 : memref<1x8x128xf32, #tpu.memory_space<hbm>> -> memref<8x128xf32, #tpu.memory_space<hbm>>
      %dma_wait3A_147 = arith.constant 0 : i32
      %dma_wait3A_148 = arith.constant 0 : i32
      %dma_wait3A_149 = tpu.memref_slice %arg8[%dma_wait3A_136, %dma_wait3A_147, %dma_wait3A_148] : memref<38x8x128xf32, #tpu.memory_space<vmem>> -> memref<1x8x128xf32, #tpu.memory_space<vmem>>
      %dma_wait3A_150 = tpu.memref_squeeze %dma_wait3A_149 : memref<1x8x128xf32, #tpu.memory_space<vmem>> -> memref<8x128xf32, #tpu.memory_space<vmem>>
      tpu.wait_dma2 semaphore(%arg10 : memref<!tpu.dma_semaphore, #tpu.memory_space<semaphore_mem>>) src(%dma_wait3A_150 : memref<8x128xf32, #tpu.memory_space<vmem>>) dst(%dma_wait3A_146 : memref<8x128xf32, #tpu.memory_space<hbm>>)
      %dma_wait3A_151 = arith.constant 0 : i32
      %dma_wait3A_152 = arith.constant 0 : i32
      %dma_wait3A_153 = arith.constant 0 : i32
      %dma_wait3A_154 = tpu.memref_slice %arg8[%dma_wait3A_151, %dma_wait3A_152, %dma_wait3A_153] : memref<38x8x128xf32, #tpu.memory_space<vmem>> -> memref<1x8x128xf32, #tpu.memory_space<vmem>>
      %dma_wait3A_155 = tpu.memref_squeeze %dma_wait3A_154 : memref<1x8x128xf32, #tpu.memory_space<vmem>> -> memref<8x128xf32, #tpu.memory_space<vmem>>
      %dma_wait3A_156 = arith.constant 0 : i32
      %dma_wait3A_157 = tpu.memref_slice %arg4[%scan3A_33, %dma_wait3A_156, %mul3A_2] : memref<50x304x4096xf32, #tpu.memory_space<hbm>> -> memref<1x8x128xf32, #tpu.memory_space<hbm>>
      %dma_wait3A_158 = tpu.memref_squeeze %dma_wait3A_157 : memref<1x8x128xf32, #tpu.memory_space<hbm>> -> memref<8x128xf32, #tpu.memory_space<hbm>>
      %dma_wait3A_159 = arith.constant 0 : i32
      %dma_wait3A_160 = tpu.memref_slice %arg4[%scan3A_33, %dma_wait3A_159, %mul3A_2] : memref<50x304x4096xf32, #tpu.memory_space<hbm>> -> memref<1x8x128xf32, #tpu.memory_space<hbm>>
      %dma_wait3A_161 = tpu.memref_squeeze %dma_wait3A_160 : memref<1x8x128xf32, #tpu.memory_space<hbm>> -> memref<8x128xf32, #tpu.memory_space<hbm>>
      %dma_wait3A_162 = arith.constant 0 : i32
      %dma_wait3A_163 = arith.constant 0 : i32
      %dma_wait3A_164 = tpu.memref_slice %arg8[%dma_wait3A_151, %dma_wait3A_162, %dma_wait3A_163] : memref<38x8x128xf32, #tpu.memory_space<vmem>> -> memref<1x8x128xf32, #tpu.memory_space<vmem>>
      %dma_wait3A_165 = tpu.memref_squeeze %dma_wait3A_164 : memref<1x8x128xf32, #tpu.memory_space<vmem>> -> memref<8x128xf32, #tpu.memory_space<vmem>>
      tpu.wait_dma2 semaphore(%arg10 : memref<!tpu.dma_semaphore, #tpu.memory_space<semaphore_mem>>) src(%dma_wait3A_165 : memref<8x128xf32, #tpu.memory_space<vmem>>) dst(%dma_wait3A_161 : memref<8x128xf32, #tpu.memory_space<hbm>>)
      %dma_wait3A_166 = arith.constant 0 : i32
      %dma_wait3A_167 = arith.constant 0 : i32
      %dma_wait3A_168 = arith.constant 0 : i32
      %dma_wait3A_169 = tpu.memref_slice %arg8[%dma_wait3A_166, %dma_wait3A_167, %dma_wait3A_168] : memref<38x8x128xf32, #tpu.memory_space<vmem>> -> memref<1x8x128xf32, #tpu.memory_space<vmem>>
      %dma_wait3A_170 = tpu.memref_squeeze %dma_wait3A_169 : memref<1x8x128xf32, #tpu.memory_space<vmem>> -> memref<8x128xf32, #tpu.memory_space<vmem>>
      %dma_wait3A_171 = arith.constant 0 : i32
      %dma_wait3A_172 = tpu.memref_slice %arg4[%scan3A_33, %dma_wait3A_171, %mul3A_2] : memref<50x304x4096xf32, #tpu.memory_space<hbm>> -> memref<1x8x128xf32, #tpu.memory_space<hbm>>
      %dma_wait3A_173 = tpu.memref_squeeze %dma_wait3A_172 : memref<1x8x128xf32, #tpu.memory_space<hbm>> -> memref<8x128xf32, #tpu.memory_space<hbm>>
      %dma_wait3A_174 = arith.constant 0 : i32
      %dma_wait3A_175 = tpu.memref_slice %arg4[%scan3A_33, %dma_wait3A_174, %mul3A_2] : memref<50x304x4096xf32, #tpu.memory_space<hbm>> -> memref<1x8x128xf32, #tpu.memory_space<hbm>>
      %dma_wait3A_176 = tpu.memref_squeeze %dma_wait3A_175 : memref<1x8x128xf32, #tpu.memory_space<hbm>> -> memref<8x128xf32, #tpu.memory_space<hbm>>
      %dma_wait3A_177 = arith.constant 0 : i32
      %dma_wait3A_178 = arith.constant 0 : i32
      %dma_wait3A_179 = tpu.memref_slice %arg8[%dma_wait3A_166, %dma_wait3A_177, %dma_wait3A_178] : memref<38x8x128xf32, #tpu.memory_space<vmem>> -> memref<1x8x128xf32, #tpu.memory_space<vmem>>
      %dma_wait3A_180 = tpu.memref_squeeze %dma_wait3A_179 : memref<1x8x128xf32, #tpu.memory_space<vmem>> -> memref<8x128xf32, #tpu.memory_space<vmem>>
      tpu.wait_dma2 semaphore(%arg10 : memref<!tpu.dma_semaphore, #tpu.memory_space<semaphore_mem>>) src(%dma_wait3A_180 : memref<8x128xf32, #tpu.memory_space<vmem>>) dst(%dma_wait3A_176 : memref<8x128xf32, #tpu.memory_space<hbm>>)
      %dma_wait3A_181 = arith.constant 0 : i32
      %dma_wait3A_182 = arith.constant 0 : i32
      %dma_wait3A_183 = arith.constant 0 : i32
      %dma_wait3A_184 = tpu.memref_slice %arg8[%dma_wait3A_181, %dma_wait3A_182, %dma_wait3A_183] : memref<38x8x128xf32, #tpu.memory_space<vmem>> -> memref<1x8x128xf32, #tpu.memory_space<vmem>>
      %dma_wait3A_185 = tpu.memref_squeeze %dma_wait3A_184 : memref<1x8x128xf32, #tpu.memory_space<vmem>> -> memref<8x128xf32, #tpu.memory_space<vmem>>
      %dma_wait3A_186 = arith.constant 0 : i32
      %dma_wait3A_187 = tpu.memref_slice %arg4[%scan3A_33, %dma_wait3A_186, %mul3A_2] : memref<50x304x4096xf32, #tpu.memory_space<hbm>> -> memref<1x8x128xf32, #tpu.memory_space<hbm>>
      %dma_wait3A_188 = tpu.memref_squeeze %dma_wait3A_187 : memref<1x8x128xf32, #tpu.memory_space<hbm>> -> memref<8x128xf32, #tpu.memory_space<hbm>>
      %dma_wait3A_189 = arith.constant 0 : i32
      %dma_wait3A_190 = tpu.memref_slice %arg4[%scan3A_33, %dma_wait3A_189, %mul3A_2] : memref<50x304x4096xf32, #tpu.memory_space<hbm>> -> memref<1x8x128xf32, #tpu.memory_space<hbm>>
      %dma_wait3A_191 = tpu.memref_squeeze %dma_wait3A_190 : memref<1x8x128xf32, #tpu.memory_space<hbm>> -> memref<8x128xf32, #tpu.memory_space<hbm>>
      %dma_wait3A_192 = arith.constant 0 : i32
      %dma_wait3A_193 = arith.constant 0 : i32
      %dma_wait3A_194 = tpu.memref_slice %arg8[%dma_wait3A_181, %dma_wait3A_192, %dma_wait3A_193] : memref<38x8x128xf32, #tpu.memory_space<vmem>> -> memref<1x8x128xf32, #tpu.memory_space<vmem>>
      %dma_wait3A_195 = tpu.memref_squeeze %dma_wait3A_194 : memref<1x8x128xf32, #tpu.memory_space<vmem>> -> memref<8x128xf32, #tpu.memory_space<vmem>>
      tpu.wait_dma2 semaphore(%arg10 : memref<!tpu.dma_semaphore, #tpu.memory_space<semaphore_mem>>) src(%dma_wait3A_195 : memref<8x128xf32, #tpu.memory_space<vmem>>) dst(%dma_wait3A_191 : memref<8x128xf32, #tpu.memory_space<hbm>>)
      %dma_wait3A_196 = arith.constant 0 : i32
      %dma_wait3A_197 = arith.constant 0 : i32
      %dma_wait3A_198 = arith.constant 0 : i32
      %dma_wait3A_199 = tpu.memref_slice %arg8[%dma_wait3A_196, %dma_wait3A_197, %dma_wait3A_198] : memref<38x8x128xf32, #tpu.memory_space<vmem>> -> memref<1x8x128xf32, #tpu.memory_space<vmem>>
      %dma_wait3A_200 = tpu.memref_squeeze %dma_wait3A_199 : memref<1x8x128xf32, #tpu.memory_space<vmem>> -> memref<8x128xf32, #tpu.memory_space<vmem>>
      %dma_wait3A_201 = arith.constant 0 : i32
      %dma_wait3A_202 = tpu.memref_slice %arg4[%scan3A_33, %dma_wait3A_201, %mul3A_2] : memref<50x304x4096xf32, #tpu.memory_space<hbm>> -> memref<1x8x128xf32, #tpu.memory_space<hbm>>
      %dma_wait3A_203 = tpu.memref_squeeze %dma_wait3A_202 : memref<1x8x128xf32, #tpu.memory_space<hbm>> -> memref<8x128xf32, #tpu.memory_space<hbm>>
      %dma_wait3A_204 = arith.constant 0 : i32
      %dma_wait3A_205 = tpu.memref_slice %arg4[%scan3A_33, %dma_wait3A_204, %mul3A_2] : memref<50x304x4096xf32, #tpu.memory_space<hbm>> -> memref<1x8x128xf32, #tpu.memory_space<hbm>>
      %dma_wait3A_206 = tpu.memref_squeeze %dma_wait3A_205 : memref<1x8x128xf32, #tpu.memory_space<hbm>> -> memref<8x128xf32, #tpu.memory_space<hbm>>
      %dma_wait3A_207 = arith.constant 0 : i32
      %dma_wait3A_208 = arith.constant 0 : i32
      %dma_wait3A_209 = tpu.memref_slice %arg8[%dma_wait3A_196, %dma_wait3A_207, %dma_wait3A_208] : memref<38x8x128xf32, #tpu.memory_space<vmem>> -> memref<1x8x128xf32, #tpu.memory_space<vmem>>
      %dma_wait3A_210 = tpu.memref_squeeze %dma_wait3A_209 : memref<1x8x128xf32, #tpu.memory_space<vmem>> -> memref<8x128xf32, #tpu.memory_space<vmem>>
      tpu.wait_dma2 semaphore(%arg10 : memref<!tpu.dma_semaphore, #tpu.memory_space<semaphore_mem>>) src(%dma_wait3A_210 : memref<8x128xf32, #tpu.memory_space<vmem>>) dst(%dma_wait3A_206 : memref<8x128xf32, #tpu.memory_space<hbm>>)
      %dma_wait3A_211 = arith.constant 0 : i32
      %dma_wait3A_212 = arith.constant 0 : i32
      %dma_wait3A_213 = arith.constant 0 : i32
      %dma_wait3A_214 = tpu.memref_slice %arg8[%dma_wait3A_211, %dma_wait3A_212, %dma_wait3A_213] : memref<38x8x128xf32, #tpu.memory_space<vmem>> -> memref<1x8x128xf32, #tpu.memory_space<vmem>>
      %dma_wait3A_215 = tpu.memref_squeeze %dma_wait3A_214 : memref<1x8x128xf32, #tpu.memory_space<vmem>> -> memref<8x128xf32, #tpu.memory_space<vmem>>
      %dma_wait3A_216 = arith.constant 0 : i32
      %dma_wait3A_217 = tpu.memref_slice %arg4[%scan3A_33, %dma_wait3A_216, %mul3A_2] : memref<50x304x4096xf32, #tpu.memory_space<hbm>> -> memref<1x8x128xf32, #tpu.memory_space<hbm>>
      %dma_wait3A_218 = tpu.memref_squeeze %dma_wait3A_217 : memref<1x8x128xf32, #tpu.memory_space<hbm>> -> memref<8x128xf32, #tpu.memory_space<hbm>>
      %dma_wait3A_219 = arith.constant 0 : i32
      %dma_wait3A_220 = tpu.memref_slice %arg4[%scan3A_33, %dma_wait3A_219, %mul3A_2] : memref<50x304x4096xf32, #tpu.memory_space<hbm>> -> memref<1x8x128xf32, #tpu.memory_space<hbm>>
      %dma_wait3A_221 = tpu.memref_squeeze %dma_wait3A_220 : memref<1x8x128xf32, #tpu.memory_space<hbm>> -> memref<8x128xf32, #tpu.memory_space<hbm>>
      %dma_wait3A_222 = arith.constant 0 : i32
      %dma_wait3A_223 = arith.constant 0 : i32
      %dma_wait3A_224 = tpu.memref_slice %arg8[%dma_wait3A_211, %dma_wait3A_222, %dma_wait3A_223] : memref<38x8x128xf32, #tpu.memory_space<vmem>> -> memref<1x8x128xf32, #tpu.memory_space<vmem>>
      %dma_wait3A_225 = tpu.memref_squeeze %dma_wait3A_224 : memref<1x8x128xf32, #tpu.memory_space<vmem>> -> memref<8x128xf32, #tpu.memory_space<vmem>>
      tpu.wait_dma2 semaphore(%arg10 : memref<!tpu.dma_semaphore, #tpu.memory_space<semaphore_mem>>) src(%dma_wait3A_225 : memref<8x128xf32, #tpu.memory_space<vmem>>) dst(%dma_wait3A_221 : memref<8x128xf32, #tpu.memory_space<hbm>>)
      %dma_wait3A_226 = arith.constant 0 : i32
      %dma_wait3A_227 = arith.constant 0 : i32
      %dma_wait3A_228 = arith.constant 0 : i32
      %dma_wait3A_229 = tpu.memref_slice %arg8[%dma_wait3A_226, %dma_wait3A_227, %dma_wait3A_228] : memref<38x8x128xf32, #tpu.memory_space<vmem>> -> memref<1x8x128xf32, #tpu.memory_space<vmem>>
      %dma_wait3A_230 = tpu.memref_squeeze %dma_wait3A_229 : memref<1x8x128xf32, #tpu.memory_space<vmem>> -> memref<8x128xf32, #tpu.memory_space<vmem>>
      %dma_wait3A_231 = arith.constant 0 : i32
      %dma_wait3A_232 = tpu.memref_slice %arg4[%scan3A_33, %dma_wait3A_231, %mul3A_2] : memref<50x304x4096xf32, #tpu.memory_space<hbm>> -> memref<1x8x128xf32, #tpu.memory_space<hbm>>
      %dma_wait3A_233 = tpu.memref_squeeze %dma_wait3A_232 : memref<1x8x128xf32, #tpu.memory_space<hbm>> -> memref<8x128xf32, #tpu.memory_space<hbm>>
      %dma_wait3A_234 = arith.constant 0 : i32
      %dma_wait3A_235 = tpu.memref_slice %arg4[%scan3A_33, %dma_wait3A_234, %mul3A_2] : memref<50x304x4096xf32, #tpu.memory_space<hbm>> -> memref<1x8x128xf32, #tpu.memory_space<hbm>>
      %dma_wait3A_236 = tpu.memref_squeeze %dma_wait3A_235 : memref<1x8x128xf32, #tpu.memory_space<hbm>> -> memref<8x128xf32, #tpu.memory_space<hbm>>
      %dma_wait3A_237 = arith.constant 0 : i32
      %dma_wait3A_238 = arith.constant 0 : i32
      %dma_wait3A_239 = tpu.memref_slice %arg8[%dma_wait3A_226, %dma_wait3A_237, %dma_wait3A_238] : memref<38x8x128xf32, #tpu.memory_space<vmem>> -> memref<1x8x128xf32, #tpu.memory_space<vmem>>
      %dma_wait3A_240 = tpu.memref_squeeze %dma_wait3A_239 : memref<1x8x128xf32, #tpu.memory_space<vmem>> -> memref<8x128xf32, #tpu.memory_space<vmem>>
      tpu.wait_dma2 semaphore(%arg10 : memref<!tpu.dma_semaphore, #tpu.memory_space<semaphore_mem>>) src(%dma_wait3A_240 : memref<8x128xf32, #tpu.memory_space<vmem>>) dst(%dma_wait3A_236 : memref<8x128xf32, #tpu.memory_space<hbm>>)
      %dma_wait3A_241 = arith.constant 0 : i32
      %dma_wait3A_242 = arith.constant 0 : i32
      %dma_wait3A_243 = arith.constant 0 : i32
      %dma_wait3A_244 = tpu.memref_slice %arg8[%dma_wait3A_241, %dma_wait3A_242, %dma_wait3A_243] : memref<38x8x128xf32, #tpu.memory_space<vmem>> -> memref<1x8x128xf32, #tpu.memory_space<vmem>>
      %dma_wait3A_245 = tpu.memref_squeeze %dma_wait3A_244 : memref<1x8x128xf32, #tpu.memory_space<vmem>> -> memref<8x128xf32, #tpu.memory_space<vmem>>
      %dma_wait3A_246 = arith.constant 0 : i32
      %dma_wait3A_247 = tpu.memref_slice %arg4[%scan3A_33, %dma_wait3A_246, %mul3A_2] : memref<50x304x4096xf32, #tpu.memory_space<hbm>> -> memref<1x8x128xf32, #tpu.memory_space<hbm>>
      %dma_wait3A_248 = tpu.memref_squeeze %dma_wait3A_247 : memref<1x8x128xf32, #tpu.memory_space<hbm>> -> memref<8x128xf32, #tpu.memory_space<hbm>>
      %dma_wait3A_249 = arith.constant 0 : i32
      %dma_wait3A_250 = tpu.memref_slice %arg4[%scan3A_33, %dma_wait3A_249, %mul3A_2] : memref<50x304x4096xf32, #tpu.memory_space<hbm>> -> memref<1x8x128xf32, #tpu.memory_space<hbm>>
      %dma_wait3A_251 = tpu.memref_squeeze %dma_wait3A_250 : memref<1x8x128xf32, #tpu.memory_space<hbm>> -> memref<8x128xf32, #tpu.memory_space<hbm>>
      %dma_wait3A_252 = arith.constant 0 : i32
      %dma_wait3A_253 = arith.constant 0 : i32
      %dma_wait3A_254 = tpu.memref_slice %arg8[%dma_wait3A_241, %dma_wait3A_252, %dma_wait3A_253] : memref<38x8x128xf32, #tpu.memory_space<vmem>> -> memref<1x8x128xf32, #tpu.memory_space<vmem>>
      %dma_wait3A_255 = tpu.memref_squeeze %dma_wait3A_254 : memref<1x8x128xf32, #tpu.memory_space<vmem>> -> memref<8x128xf32, #tpu.memory_space<vmem>>
      tpu.wait_dma2 semaphore(%arg10 : memref<!tpu.dma_semaphore, #tpu.memory_space<semaphore_mem>>) src(%dma_wait3A_255 : memref<8x128xf32, #tpu.memory_space<vmem>>) dst(%dma_wait3A_251 : memref<8x128xf32, #tpu.memory_space<hbm>>)
      %dma_wait3A_256 = arith.constant 0 : i32
      %dma_wait3A_257 = arith.constant 0 : i32
      %dma_wait3A_258 = arith.constant 0 : i32
      %dma_wait3A_259 = tpu.memref_slice %arg8[%dma_wait3A_256, %dma_wait3A_257, %dma_wait3A_258] : memref<38x8x128xf32, #tpu.memory_space<vmem>> -> memref<1x8x128xf32, #tpu.memory_space<vmem>>
      %dma_wait3A_260 = tpu.memref_squeeze %dma_wait3A_259 : memref<1x8x128xf32, #tpu.memory_space<vmem>> -> memref<8x128xf32, #tpu.memory_space<vmem>>
      %dma_wait3A_261 = arith.constant 0 : i32
      %dma_wait3A_262 = tpu.memref_slice %arg4[%scan3A_33, %dma_wait3A_261, %mul3A_2] : memref<50x304x4096xf32, #tpu.memory_space<hbm>> -> memref<1x8x128xf32, #tpu.memory_space<hbm>>
      %dma_wait3A_263 = tpu.memref_squeeze %dma_wait3A_262 : memref<1x8x128xf32, #tpu.memory_space<hbm>> -> memref<8x128xf32, #tpu.memory_space<hbm>>
      %dma_wait3A_264 = arith.constant 0 : i32
      %dma_wait3A_265 = tpu.memref_slice %arg4[%scan3A_33, %dma_wait3A_264, %mul3A_2] : memref<50x304x4096xf32, #tpu.memory_space<hbm>> -> memref<1x8x128xf32, #tpu.memory_space<hbm>>
      %dma_wait3A_266 = tpu.memref_squeeze %dma_wait3A_265 : memref<1x8x128xf32, #tpu.memory_space<hbm>> -> memref<8x128xf32, #tpu.memory_space<hbm>>
      %dma_wait3A_267 = arith.constant 0 : i32
      %dma_wait3A_268 = arith.constant 0 : i32
      %dma_wait3A_269 = tpu.memref_slice %arg8[%dma_wait3A_256, %dma_wait3A_267, %dma_wait3A_268] : memref<38x8x128xf32, #tpu.memory_space<vmem>> -> memref<1x8x128xf32, #tpu.memory_space<vmem>>
      %dma_wait3A_270 = tpu.memref_squeeze %dma_wait3A_269 : memref<1x8x128xf32, #tpu.memory_space<vmem>> -> memref<8x128xf32, #tpu.memory_space<vmem>>
      tpu.wait_dma2 semaphore(%arg10 : memref<!tpu.dma_semaphore, #tpu.memory_space<semaphore_mem>>) src(%dma_wait3A_270 : memref<8x128xf32, #tpu.memory_space<vmem>>) dst(%dma_wait3A_266 : memref<8x128xf32, #tpu.memory_space<hbm>>)
      %dma_wait3A_271 = arith.constant 0 : i32
      %dma_wait3A_272 = arith.constant 0 : i32
      %dma_wait3A_273 = arith.constant 0 : i32
      %dma_wait3A_274 = tpu.memref_slice %arg8[%dma_wait3A_271, %dma_wait3A_272, %dma_wait3A_273] : memref<38x8x128xf32, #tpu.memory_space<vmem>> -> memref<1x8x128xf32, #tpu.memory_space<vmem>>
      %dma_wait3A_275 = tpu.memref_squeeze %dma_wait3A_274 : memref<1x8x128xf32, #tpu.memory_space<vmem>> -> memref<8x128xf32, #tpu.memory_space<vmem>>
      %dma_wait3A_276 = arith.constant 0 : i32
      %dma_wait3A_277 = tpu.memref_slice %arg4[%scan3A_33, %dma_wait3A_276, %mul3A_2] : memref<50x304x4096xf32, #tpu.memory_space<hbm>> -> memref<1x8x128xf32, #tpu.memory_space<hbm>>
      %dma_wait3A_278 = tpu.memref_squeeze %dma_wait3A_277 : memref<1x8x128xf32, #tpu.memory_space<hbm>> -> memref<8x128xf32, #tpu.memory_space<hbm>>
      %dma_wait3A_279 = arith.constant 0 : i32
      %dma_wait3A_280 = tpu.memref_slice %arg4[%scan3A_33, %dma_wait3A_279, %mul3A_2] : memref<50x304x4096xf32, #tpu.memory_space<hbm>> -> memref<1x8x128xf32, #tpu.memory_space<hbm>>
      %dma_wait3A_281 = tpu.memref_squeeze %dma_wait3A_280 : memref<1x8x128xf32, #tpu.memory_space<hbm>> -> memref<8x128xf32, #tpu.memory_space<hbm>>
      %dma_wait3A_282 = arith.constant 0 : i32
      %dma_wait3A_283 = arith.constant 0 : i32
      %dma_wait3A_284 = tpu.memref_slice %arg8[%dma_wait3A_271, %dma_wait3A_282, %dma_wait3A_283] : memref<38x8x128xf32, #tpu.memory_space<vmem>> -> memref<1x8x128xf32, #tpu.memory_space<vmem>>
      %dma_wait3A_285 = tpu.memref_squeeze %dma_wait3A_284 : memref<1x8x128xf32, #tpu.memory_space<vmem>> -> memref<8x128xf32, #tpu.memory_space<vmem>>
      tpu.wait_dma2 semaphore(%arg10 : memref<!tpu.dma_semaphore, #tpu.memory_space<semaphore_mem>>) src(%dma_wait3A_285 : memref<8x128xf32, #tpu.memory_space<vmem>>) dst(%dma_wait3A_281 : memref<8x128xf32, #tpu.memory_space<hbm>>)
      %dma_wait3A_286 = arith.constant 0 : i32
      %dma_wait3A_287 = arith.constant 0 : i32
      %dma_wait3A_288 = arith.constant 0 : i32
      %dma_wait3A_289 = tpu.memref_slice %arg8[%dma_wait3A_286, %dma_wait3A_287, %dma_wait3A_288] : memref<38x8x128xf32, #tpu.memory_space<vmem>> -> memref<1x8x128xf32, #tpu.memory_space<vmem>>
      %dma_wait3A_290 = tpu.memref_squeeze %dma_wait3A_289 : memref<1x8x128xf32, #tpu.memory_space<vmem>> -> memref<8x128xf32, #tpu.memory_space<vmem>>
      %dma_wait3A_291 = arith.constant 0 : i32
      %dma_wait3A_292 = tpu.memref_slice %arg4[%scan3A_33, %dma_wait3A_291, %mul3A_2] : memref<50x304x4096xf32, #tpu.memory_space<hbm>> -> memref<1x8x128xf32, #tpu.memory_space<hbm>>
      %dma_wait3A_293 = tpu.memref_squeeze %dma_wait3A_292 : memref<1x8x128xf32, #tpu.memory_space<hbm>> -> memref<8x128xf32, #tpu.memory_space<hbm>>
      %dma_wait3A_294 = arith.constant 0 : i32
      %dma_wait3A_295 = tpu.memref_slice %arg4[%scan3A_33, %dma_wait3A_294, %mul3A_2] : memref<50x304x4096xf32, #tpu.memory_space<hbm>> -> memref<1x8x128xf32, #tpu.memory_space<hbm>>
      %dma_wait3A_296 = tpu.memref_squeeze %dma_wait3A_295 : memref<1x8x128xf32, #tpu.memory_space<hbm>> -> memref<8x128xf32, #tpu.memory_space<hbm>>
      %dma_wait3A_297 = arith.constant 0 : i32
      %dma_wait3A_298 = arith.constant 0 : i32
      %dma_wait3A_299 = tpu.memref_slice %arg8[%dma_wait3A_286, %dma_wait3A_297, %dma_wait3A_298] : memref<38x8x128xf32, #tpu.memory_space<vmem>> -> memref<1x8x128xf32, #tpu.memory_space<vmem>>
      %dma_wait3A_300 = tpu.memref_squeeze %dma_wait3A_299 : memref<1x8x128xf32, #tpu.memory_space<vmem>> -> memref<8x128xf32, #tpu.memory_space<vmem>>
      tpu.wait_dma2 semaphore(%arg10 : memref<!tpu.dma_semaphore, #tpu.memory_space<semaphore_mem>>) src(%dma_wait3A_300 : memref<8x128xf32, #tpu.memory_space<vmem>>) dst(%dma_wait3A_296 : memref<8x128xf32, #tpu.memory_space<hbm>>)
      %dma_wait3A_301 = arith.constant 0 : i32
      %dma_wait3A_302 = arith.constant 0 : i32
      %dma_wait3A_303 = arith.constant 0 : i32
      %dma_wait3A_304 = tpu.memref_slice %arg8[%dma_wait3A_301, %dma_wait3A_302, %dma_wait3A_303] : memref<38x8x128xf32, #tpu.memory_space<vmem>> -> memref<1x8x128xf32, #tpu.memory_space<vmem>>
      %dma_wait3A_305 = tpu.memref_squeeze %dma_wait3A_304 : memref<1x8x128xf32, #tpu.memory_space<vmem>> -> memref<8x128xf32, #tpu.memory_space<vmem>>
      %dma_wait3A_306 = arith.constant 0 : i32
      %dma_wait3A_307 = tpu.memref_slice %arg4[%scan3A_33, %dma_wait3A_306, %mul3A_2] : memref<50x304x4096xf32, #tpu.memory_space<hbm>> -> memref<1x8x128xf32, #tpu.memory_space<hbm>>
      %dma_wait3A_308 = tpu.memref_squeeze %dma_wait3A_307 : memref<1x8x128xf32, #tpu.memory_space<hbm>> -> memref<8x128xf32, #tpu.memory_space<hbm>>
      %dma_wait3A_309 = arith.constant 0 : i32
      %dma_wait3A_310 = tpu.memref_slice %arg4[%scan3A_33, %dma_wait3A_309, %mul3A_2] : memref<50x304x4096xf32, #tpu.memory_space<hbm>> -> memref<1x8x128xf32, #tpu.memory_space<hbm>>
      %dma_wait3A_311 = tpu.memref_squeeze %dma_wait3A_310 : memref<1x8x128xf32, #tpu.memory_space<hbm>> -> memref<8x128xf32, #tpu.memory_space<hbm>>
      %dma_wait3A_312 = arith.constant 0 : i32
      %dma_wait3A_313 = arith.constant 0 : i32
      %dma_wait3A_314 = tpu.memref_slice %arg8[%dma_wait3A_301, %dma_wait3A_312, %dma_wait3A_313] : memref<38x8x128xf32, #tpu.memory_space<vmem>> -> memref<1x8x128xf32, #tpu.memory_space<vmem>>
      %dma_wait3A_315 = tpu.memref_squeeze %dma_wait3A_314 : memref<1x8x128xf32, #tpu.memory_space<vmem>> -> memref<8x128xf32, #tpu.memory_space<vmem>>
      tpu.wait_dma2 semaphore(%arg10 : memref<!tpu.dma_semaphore, #tpu.memory_space<semaphore_mem>>) src(%dma_wait3A_315 : memref<8x128xf32, #tpu.memory_space<vmem>>) dst(%dma_wait3A_311 : memref<8x128xf32, #tpu.memory_space<hbm>>)
      %dma_wait3A_316 = arith.constant 0 : i32
      %dma_wait3A_317 = arith.constant 0 : i32
      %dma_wait3A_318 = arith.constant 0 : i32
      %dma_wait3A_319 = tpu.memref_slice %arg8[%dma_wait3A_316, %dma_wait3A_317, %dma_wait3A_318] : memref<38x8x128xf32, #tpu.memory_space<vmem>> -> memref<1x8x128xf32, #tpu.memory_space<vmem>>
      %dma_wait3A_320 = tpu.memref_squeeze %dma_wait3A_319 : memref<1x8x128xf32, #tpu.memory_space<vmem>> -> memref<8x128xf32, #tpu.memory_space<vmem>>
      %dma_wait3A_321 = arith.constant 0 : i32
      %dma_wait3A_322 = tpu.memref_slice %arg4[%scan3A_33, %dma_wait3A_321, %mul3A_2] : memref<50x304x4096xf32, #tpu.memory_space<hbm>> -> memref<1x8x128xf32, #tpu.memory_space<hbm>>
      %dma_wait3A_323 = tpu.memref_squeeze %dma_wait3A_322 : memref<1x8x128xf32, #tpu.memory_space<hbm>> -> memref<8x128xf32, #tpu.memory_space<hbm>>
      %dma_wait3A_324 = arith.constant 0 : i32
      %dma_wait3A_325 = tpu.memref_slice %arg4[%scan3A_33, %dma_wait3A_324, %mul3A_2] : memref<50x304x4096xf32, #tpu.memory_space<hbm>> -> memref<1x8x128xf32, #tpu.memory_space<hbm>>
      %dma_wait3A_326 = tpu.memref_squeeze %dma_wait3A_325 : memref<1x8x128xf32, #tpu.memory_space<hbm>> -> memref<8x128xf32, #tpu.memory_space<hbm>>
      %dma_wait3A_327 = arith.constant 0 : i32
      %dma_wait3A_328 = arith.constant 0 : i32
      %dma_wait3A_329 = tpu.memref_slice %arg8[%dma_wait3A_316, %dma_wait3A_327, %dma_wait3A_328] : memref<38x8x128xf32, #tpu.memory_space<vmem>> -> memref<1x8x128xf32, #tpu.memory_space<vmem>>
      %dma_wait3A_330 = tpu.memref_squeeze %dma_wait3A_329 : memref<1x8x128xf32, #tpu.memory_space<vmem>> -> memref<8x128xf32, #tpu.memory_space<vmem>>
      tpu.wait_dma2 semaphore(%arg10 : memref<!tpu.dma_semaphore, #tpu.memory_space<semaphore_mem>>) src(%dma_wait3A_330 : memref<8x128xf32, #tpu.memory_space<vmem>>) dst(%dma_wait3A_326 : memref<8x128xf32, #tpu.memory_space<hbm>>)
      %dma_wait3A_331 = arith.constant 0 : i32
      %dma_wait3A_332 = arith.constant 0 : i32
      %dma_wait3A_333 = arith.constant 0 : i32
      %dma_wait3A_334 = tpu.memref_slice %arg8[%dma_wait3A_331, %dma_wait3A_332, %dma_wait3A_333] : memref<38x8x128xf32, #tpu.memory_space<vmem>> -> memref<1x8x128xf32, #tpu.memory_space<vmem>>
      %dma_wait3A_335 = tpu.memref_squeeze %dma_wait3A_334 : memref<1x8x128xf32, #tpu.memory_space<vmem>> -> memref<8x128xf32, #tpu.memory_space<vmem>>
      %dma_wait3A_336 = arith.constant 0 : i32
      %dma_wait3A_337 = tpu.memref_slice %arg4[%scan3A_33, %dma_wait3A_336, %mul3A_2] : memref<50x304x4096xf32, #tpu.memory_space<hbm>> -> memref<1x8x128xf32, #tpu.memory_space<hbm>>
      %dma_wait3A_338 = tpu.memref_squeeze %dma_wait3A_337 : memref<1x8x128xf32, #tpu.memory_space<hbm>> -> memref<8x128xf32, #tpu.memory_space<hbm>>
      %dma_wait3A_339 = arith.constant 0 : i32
      %dma_wait3A_340 = tpu.memref_slice %arg4[%scan3A_33, %dma_wait3A_339, %mul3A_2] : memref<50x304x4096xf32, #tpu.memory_space<hbm>> -> memref<1x8x128xf32, #tpu.memory_space<hbm>>
      %dma_wait3A_341 = tpu.memref_squeeze %dma_wait3A_340 : memref<1x8x128xf32, #tpu.memory_space<hbm>> -> memref<8x128xf32, #tpu.memory_space<hbm>>
      %dma_wait3A_342 = arith.constant 0 : i32
      %dma_wait3A_343 = arith.constant 0 : i32
      %dma_wait3A_344 = tpu.memref_slice %arg8[%dma_wait3A_331, %dma_wait3A_342, %dma_wait3A_343] : memref<38x8x128xf32, #tpu.memory_space<vmem>> -> memref<1x8x128xf32, #tpu.memory_space<vmem>>
      %dma_wait3A_345 = tpu.memref_squeeze %dma_wait3A_344 : memref<1x8x128xf32, #tpu.memory_space<vmem>> -> memref<8x128xf32, #tpu.memory_space<vmem>>
      tpu.wait_dma2 semaphore(%arg10 : memref<!tpu.dma_semaphore, #tpu.memory_space<semaphore_mem>>) src(%dma_wait3A_345 : memref<8x128xf32, #tpu.memory_space<vmem>>) dst(%dma_wait3A_341 : memref<8x128xf32, #tpu.memory_space<hbm>>)
      %dma_wait3A_346 = arith.constant 0 : i32
      %dma_wait3A_347 = arith.constant 0 : i32
      %dma_wait3A_348 = arith.constant 0 : i32
      %dma_wait3A_349 = tpu.memref_slice %arg8[%dma_wait3A_346, %dma_wait3A_347, %dma_wait3A_348] : memref<38x8x128xf32, #tpu.memory_space<vmem>> -> memref<1x8x128xf32, #tpu.memory_space<vmem>>
      %dma_wait3A_350 = tpu.memref_squeeze %dma_wait3A_349 : memref<1x8x128xf32, #tpu.memory_space<vmem>> -> memref<8x128xf32, #tpu.memory_space<vmem>>
      %dma_wait3A_351 = arith.constant 0 : i32
      %dma_wait3A_352 = tpu.memref_slice %arg4[%scan3A_33, %dma_wait3A_351, %mul3A_2] : memref<50x304x4096xf32, #tpu.memory_space<hbm>> -> memref<1x8x128xf32, #tpu.memory_space<hbm>>
      %dma_wait3A_353 = tpu.memref_squeeze %dma_wait3A_352 : memref<1x8x128xf32, #tpu.memory_space<hbm>> -> memref<8x128xf32, #tpu.memory_space<hbm>>
      %dma_wait3A_354 = arith.constant 0 : i32
      %dma_wait3A_355 = tpu.memref_slice %arg4[%scan3A_33, %dma_wait3A_354, %mul3A_2] : memref<50x304x4096xf32, #tpu.memory_space<hbm>> -> memref<1x8x128xf32, #tpu.memory_space<hbm>>
      %dma_wait3A_356 = tpu.memref_squeeze %dma_wait3A_355 : memref<1x8x128xf32, #tpu.memory_space<hbm>> -> memref<8x128xf32, #tpu.memory_space<hbm>>
      %dma_wait3A_357 = arith.constant 0 : i32
      %dma_wait3A_358 = arith.constant 0 : i32
      %dma_wait3A_359 = tpu.memref_slice %arg8[%dma_wait3A_346, %dma_wait3A_357, %dma_wait3A_358] : memref<38x8x128xf32, #tpu.memory_space<vmem>> -> memref<1x8x128xf32, #tpu.memory_space<vmem>>
      %dma_wait3A_360 = tpu.memref_squeeze %dma_wait3A_359 : memref<1x8x128xf32, #tpu.memory_space<vmem>> -> memref<8x128xf32, #tpu.memory_space<vmem>>
      tpu.wait_dma2 semaphore(%arg10 : memref<!tpu.dma_semaphore, #tpu.memory_space<semaphore_mem>>) src(%dma_wait3A_360 : memref<8x128xf32, #tpu.memory_space<vmem>>) dst(%dma_wait3A_356 : memref<8x128xf32, #tpu.memory_space<hbm>>)
      %dma_wait3A_361 = arith.constant 0 : i32
      %dma_wait3A_362 = arith.constant 0 : i32
      %dma_wait3A_363 = arith.constant 0 : i32
      %dma_wait3A_364 = tpu.memref_slice %arg8[%dma_wait3A_361, %dma_wait3A_362, %dma_wait3A_363] : memref<38x8x128xf32, #tpu.memory_space<vmem>> -> memref<1x8x128xf32, #tpu.memory_space<vmem>>
      %dma_wait3A_365 = tpu.memref_squeeze %dma_wait3A_364 : memref<1x8x128xf32, #tpu.memory_space<vmem>> -> memref<8x128xf32, #tpu.memory_space<vmem>>
      %dma_wait3A_366 = arith.constant 0 : i32
      %dma_wait3A_367 = tpu.memref_slice %arg4[%scan3A_33, %dma_wait3A_366, %mul3A_2] : memref<50x304x4096xf32, #tpu.memory_space<hbm>> -> memref<1x8x128xf32, #tpu.memory_space<hbm>>
      %dma_wait3A_368 = tpu.memref_squeeze %dma_wait3A_367 : memref<1x8x128xf32, #tpu.memory_space<hbm>> -> memref<8x128xf32, #tpu.memory_space<hbm>>
      %dma_wait3A_369 = arith.constant 0 : i32
      %dma_wait3A_370 = tpu.memref_slice %arg4[%scan3A_33, %dma_wait3A_369, %mul3A_2] : memref<50x304x4096xf32, #tpu.memory_space<hbm>> -> memref<1x8x128xf32, #tpu.memory_space<hbm>>
      %dma_wait3A_371 = tpu.memref_squeeze %dma_wait3A_370 : memref<1x8x128xf32, #tpu.memory_space<hbm>> -> memref<8x128xf32, #tpu.memory_space<hbm>>
      %dma_wait3A_372 = arith.constant 0 : i32
      %dma_wait3A_373 = arith.constant 0 : i32
      %dma_wait3A_374 = tpu.memref_slice %arg8[%dma_wait3A_361, %dma_wait3A_372, %dma_wait3A_373] : memref<38x8x128xf32, #tpu.memory_space<vmem>> -> memref<1x8x128xf32, #tpu.memory_space<vmem>>
      %dma_wait3A_375 = tpu.memref_squeeze %dma_wait3A_374 : memref<1x8x128xf32, #tpu.memory_space<vmem>> -> memref<8x128xf32, #tpu.memory_space<vmem>>
      tpu.wait_dma2 semaphore(%arg10 : memref<!tpu.dma_semaphore, #tpu.memory_space<semaphore_mem>>) src(%dma_wait3A_375 : memref<8x128xf32, #tpu.memory_space<vmem>>) dst(%dma_wait3A_371 : memref<8x128xf32, #tpu.memory_space<hbm>>)
      %dma_wait3A_376 = arith.constant 0 : i32
      %dma_wait3A_377 = arith.constant 0 : i32
      %dma_wait3A_378 = arith.constant 0 : i32
      %dma_wait3A_379 = tpu.memref_slice %arg8[%dma_wait3A_376, %dma_wait3A_377, %dma_wait3A_378] : memref<38x8x128xf32, #tpu.memory_space<vmem>> -> memref<1x8x128xf32, #tpu.memory_space<vmem>>
      %dma_wait3A_380 = tpu.memref_squeeze %dma_wait3A_379 : memref<1x8x128xf32, #tpu.memory_space<vmem>> -> memref<8x128xf32, #tpu.memory_space<vmem>>
      %dma_wait3A_381 = arith.constant 0 : i32
      %dma_wait3A_382 = tpu.memref_slice %arg4[%scan3A_33, %dma_wait3A_381, %mul3A_2] : memref<50x304x4096xf32, #tpu.memory_space<hbm>> -> memref<1x8x128xf32, #tpu.memory_space<hbm>>
      %dma_wait3A_383 = tpu.memref_squeeze %dma_wait3A_382 : memref<1x8x128xf32, #tpu.memory_space<hbm>> -> memref<8x128xf32, #tpu.memory_space<hbm>>
      %dma_wait3A_384 = arith.constant 0 : i32
      %dma_wait3A_385 = tpu.memref_slice %arg4[%scan3A_33, %dma_wait3A_384, %mul3A_2] : memref<50x304x4096xf32, #tpu.memory_space<hbm>> -> memref<1x8x128xf32, #tpu.memory_space<hbm>>
      %dma_wait3A_386 = tpu.memref_squeeze %dma_wait3A_385 : memref<1x8x128xf32, #tpu.memory_space<hbm>> -> memref<8x128xf32, #tpu.memory_space<hbm>>
      %dma_wait3A_387 = arith.constant 0 : i32
      %dma_wait3A_388 = arith.constant 0 : i32
      %dma_wait3A_389 = tpu.memref_slice %arg8[%dma_wait3A_376, %dma_wait3A_387, %dma_wait3A_388] : memref<38x8x128xf32, #tpu.memory_space<vmem>> -> memref<1x8x128xf32, #tpu.memory_space<vmem>>
      %dma_wait3A_390 = tpu.memref_squeeze %dma_wait3A_389 : memref<1x8x128xf32, #tpu.memory_space<vmem>> -> memref<8x128xf32, #tpu.memory_space<vmem>>
      tpu.wait_dma2 semaphore(%arg10 : memref<!tpu.dma_semaphore, #tpu.memory_space<semaphore_mem>>) src(%dma_wait3A_390 : memref<8x128xf32, #tpu.memory_space<vmem>>) dst(%dma_wait3A_386 : memref<8x128xf32, #tpu.memory_space<hbm>>)
      %dma_wait3A_391 = arith.constant 0 : i32
      %dma_wait3A_392 = arith.constant 0 : i32
      %dma_wait3A_393 = arith.constant 0 : i32
      %dma_wait3A_394 = tpu.memref_slice %arg8[%dma_wait3A_391, %dma_wait3A_392, %dma_wait3A_393] : memref<38x8x128xf32, #tpu.memory_space<vmem>> -> memref<1x8x128xf32, #tpu.memory_space<vmem>>
      %dma_wait3A_395 = tpu.memref_squeeze %dma_wait3A_394 : memref<1x8x128xf32, #tpu.memory_space<vmem>> -> memref<8x128xf32, #tpu.memory_space<vmem>>
      %dma_wait3A_396 = arith.constant 0 : i32
      %dma_wait3A_397 = tpu.memref_slice %arg4[%scan3A_33, %dma_wait3A_396, %mul3A_2] : memref<50x304x4096xf32, #tpu.memory_space<hbm>> -> memref<1x8x128xf32, #tpu.memory_space<hbm>>
      %dma_wait3A_398 = tpu.memref_squeeze %dma_wait3A_397 : memref<1x8x128xf32, #tpu.memory_space<hbm>> -> memref<8x128xf32, #tpu.memory_space<hbm>>
      %dma_wait3A_399 = arith.constant 0 : i32
      %dma_wait3A_400 = tpu.memref_slice %arg4[%scan3A_33, %dma_wait3A_399, %mul3A_2] : memref<50x304x4096xf32, #tpu.memory_space<hbm>> -> memref<1x8x128xf32, #tpu.memory_space<hbm>>
      %dma_wait3A_401 = tpu.memref_squeeze %dma_wait3A_400 : memref<1x8x128xf32, #tpu.memory_space<hbm>> -> memref<8x128xf32, #tpu.memory_space<hbm>>
      %dma_wait3A_402 = arith.constant 0 : i32
      %dma_wait3A_403 = arith.constant 0 : i32
      %dma_wait3A_404 = tpu.memref_slice %arg8[%dma_wait3A_391, %dma_wait3A_402, %dma_wait3A_403] : memref<38x8x128xf32, #tpu.memory_space<vmem>> -> memref<1x8x128xf32, #tpu.memory_space<vmem>>
      %dma_wait3A_405 = tpu.memref_squeeze %dma_wait3A_404 : memref<1x8x128xf32, #tpu.memory_space<vmem>> -> memref<8x128xf32, #tpu.memory_space<vmem>>
      tpu.wait_dma2 semaphore(%arg10 : memref<!tpu.dma_semaphore, #tpu.memory_space<semaphore_mem>>) src(%dma_wait3A_405 : memref<8x128xf32, #tpu.memory_space<vmem>>) dst(%dma_wait3A_401 : memref<8x128xf32, #tpu.memory_space<hbm>>)
      %dma_wait3A_406 = arith.constant 0 : i32
      %dma_wait3A_407 = arith.constant 0 : i32
      %dma_wait3A_408 = arith.constant 0 : i32
      %dma_wait3A_409 = tpu.memref_slice %arg8[%dma_wait3A_406, %dma_wait3A_407, %dma_wait3A_408] : memref<38x8x128xf32, #tpu.memory_space<vmem>> -> memref<1x8x128xf32, #tpu.memory_space<vmem>>
      %dma_wait3A_410 = tpu.memref_squeeze %dma_wait3A_409 : memref<1x8x128xf32, #tpu.memory_space<vmem>> -> memref<8x128xf32, #tpu.memory_space<vmem>>
      %dma_wait3A_411 = arith.constant 0 : i32
      %dma_wait3A_412 = tpu.memref_slice %arg4[%scan3A_33, %dma_wait3A_411, %mul3A_2] : memref<50x304x4096xf32, #tpu.memory_space<hbm>> -> memref<1x8x128xf32, #tpu.memory_space<hbm>>
      %dma_wait3A_413 = tpu.memref_squeeze %dma_wait3A_412 : memref<1x8x128xf32, #tpu.memory_space<hbm>> -> memref<8x128xf32, #tpu.memory_space<hbm>>
      %dma_wait3A_414 = arith.constant 0 : i32
      %dma_wait3A_415 = tpu.memref_slice %arg4[%scan3A_33, %dma_wait3A_414, %mul3A_2] : memref<50x304x4096xf32, #tpu.memory_space<hbm>> -> memref<1x8x128xf32, #tpu.memory_space<hbm>>
      %dma_wait3A_416 = tpu.memref_squeeze %dma_wait3A_415 : memref<1x8x128xf32, #tpu.memory_space<hbm>> -> memref<8x128xf32, #tpu.memory_space<hbm>>
      %dma_wait3A_417 = arith.constant 0 : i32
      %dma_wait3A_418 = arith.constant 0 : i32
      %dma_wait3A_419 = tpu.memref_slice %arg8[%dma_wait3A_406, %dma_wait3A_417, %dma_wait3A_418] : memref<38x8x128xf32, #tpu.memory_space<vmem>> -> memref<1x8x128xf32, #tpu.memory_space<vmem>>
      %dma_wait3A_420 = tpu.memref_squeeze %dma_wait3A_419 : memref<1x8x128xf32, #tpu.memory_space<vmem>> -> memref<8x128xf32, #tpu.memory_space<vmem>>
      tpu.wait_dma2 semaphore(%arg10 : memref<!tpu.dma_semaphore, #tpu.memory_space<semaphore_mem>>) src(%dma_wait3A_420 : memref<8x128xf32, #tpu.memory_space<vmem>>) dst(%dma_wait3A_416 : memref<8x128xf32, #tpu.memory_space<hbm>>)
      %dma_wait3A_421 = arith.constant 0 : i32
      %dma_wait3A_422 = arith.constant 0 : i32
      %dma_wait3A_423 = arith.constant 0 : i32
      %dma_wait3A_424 = tpu.memref_slice %arg8[%dma_wait3A_421, %dma_wait3A_422, %dma_wait3A_423] : memref<38x8x128xf32, #tpu.memory_space<vmem>> -> memref<1x8x128xf32, #tpu.memory_space<vmem>>
      %dma_wait3A_425 = tpu.memref_squeeze %dma_wait3A_424 : memref<1x8x128xf32, #tpu.memory_space<vmem>> -> memref<8x128xf32, #tpu.memory_space<vmem>>
      %dma_wait3A_426 = arith.constant 0 : i32
      %dma_wait3A_427 = tpu.memref_slice %arg4[%scan3A_33, %dma_wait3A_426, %mul3A_2] : memref<50x304x4096xf32, #tpu.memory_space<hbm>> -> memref<1x8x128xf32, #tpu.memory_space<hbm>>
      %dma_wait3A_428 = tpu.memref_squeeze %dma_wait3A_427 : memref<1x8x128xf32, #tpu.memory_space<hbm>> -> memref<8x128xf32, #tpu.memory_space<hbm>>
      %dma_wait3A_429 = arith.constant 0 : i32
      %dma_wait3A_430 = tpu.memref_slice %arg4[%scan3A_33, %dma_wait3A_429, %mul3A_2] : memref<50x304x4096xf32, #tpu.memory_space<hbm>> -> memref<1x8x128xf32, #tpu.memory_space<hbm>>
      %dma_wait3A_431 = tpu.memref_squeeze %dma_wait3A_430 : memref<1x8x128xf32, #tpu.memory_space<hbm>> -> memref<8x128xf32, #tpu.memory_space<hbm>>
      %dma_wait3A_432 = arith.constant 0 : i32
      %dma_wait3A_433 = arith.constant 0 : i32
      %dma_wait3A_434 = tpu.memref_slice %arg8[%dma_wait3A_421, %dma_wait3A_432, %dma_wait3A_433] : memref<38x8x128xf32, #tpu.memory_space<vmem>> -> memref<1x8x128xf32, #tpu.memory_space<vmem>>
      %dma_wait3A_435 = tpu.memref_squeeze %dma_wait3A_434 : memref<1x8x128xf32, #tpu.memory_space<vmem>> -> memref<8x128xf32, #tpu.memory_space<vmem>>
      tpu.wait_dma2 semaphore(%arg10 : memref<!tpu.dma_semaphore, #tpu.memory_space<semaphore_mem>>) src(%dma_wait3A_435 : memref<8x128xf32, #tpu.memory_space<vmem>>) dst(%dma_wait3A_431 : memref<8x128xf32, #tpu.memory_space<hbm>>)
      %dma_wait3A_436 = arith.constant 0 : i32
      %dma_wait3A_437 = arith.constant 0 : i32
      %dma_wait3A_438 = arith.constant 0 : i32
      %dma_wait3A_439 = tpu.memref_slice %arg8[%dma_wait3A_436, %dma_wait3A_437, %dma_wait3A_438] : memref<38x8x128xf32, #tpu.memory_space<vmem>> -> memref<1x8x128xf32, #tpu.memory_space<vmem>>
      %dma_wait3A_440 = tpu.memref_squeeze %dma_wait3A_439 : memref<1x8x128xf32, #tpu.memory_space<vmem>> -> memref<8x128xf32, #tpu.memory_space<vmem>>
      %dma_wait3A_441 = arith.constant 0 : i32
      %dma_wait3A_442 = tpu.memref_slice %arg4[%scan3A_33, %dma_wait3A_441, %mul3A_2] : memref<50x304x4096xf32, #tpu.memory_space<hbm>> -> memref<1x8x128xf32, #tpu.memory_space<hbm>>
      %dma_wait3A_443 = tpu.memref_squeeze %dma_wait3A_442 : memref<1x8x128xf32, #tpu.memory_space<hbm>> -> memref<8x128xf32, #tpu.memory_space<hbm>>
      %dma_wait3A_444 = arith.constant 0 : i32
      %dma_wait3A_445 = tpu.memref_slice %arg4[%scan3A_33, %dma_wait3A_444, %mul3A_2] : memref<50x304x4096xf32, #tpu.memory_space<hbm>> -> memref<1x8x128xf32, #tpu.memory_space<hbm>>
      %dma_wait3A_446 = tpu.memref_squeeze %dma_wait3A_445 : memref<1x8x128xf32, #tpu.memory_space<hbm>> -> memref<8x128xf32, #tpu.memory_space<hbm>>
      %dma_wait3A_447 = arith.constant 0 : i32
      %dma_wait3A_448 = arith.constant 0 : i32
      %dma_wait3A_449 = tpu.memref_slice %arg8[%dma_wait3A_436, %dma_wait3A_447, %dma_wait3A_448] : memref<38x8x128xf32, #tpu.memory_space<vmem>> -> memref<1x8x128xf32, #tpu.memory_space<vmem>>
      %dma_wait3A_450 = tpu.memref_squeeze %dma_wait3A_449 : memref<1x8x128xf32, #tpu.memory_space<vmem>> -> memref<8x128xf32, #tpu.memory_space<vmem>>
      tpu.wait_dma2 semaphore(%arg10 : memref<!tpu.dma_semaphore, #tpu.memory_space<semaphore_mem>>) src(%dma_wait3A_450 : memref<8x128xf32, #tpu.memory_space<vmem>>) dst(%dma_wait3A_446 : memref<8x128xf32, #tpu.memory_space<hbm>>)
      %dma_wait3A_451 = arith.constant 0 : i32
      %dma_wait3A_452 = arith.constant 0 : i32
      %dma_wait3A_453 = arith.constant 0 : i32
      %dma_wait3A_454 = tpu.memref_slice %arg8[%dma_wait3A_451, %dma_wait3A_452, %dma_wait3A_453] : memref<38x8x128xf32, #tpu.memory_space<vmem>> -> memref<1x8x128xf32, #tpu.memory_space<vmem>>
      %dma_wait3A_455 = tpu.memref_squeeze %dma_wait3A_454 : memref<1x8x128xf32, #tpu.memory_space<vmem>> -> memref<8x128xf32, #tpu.memory_space<vmem>>
      %dma_wait3A_456 = arith.constant 0 : i32
      %dma_wait3A_457 = tpu.memref_slice %arg4[%scan3A_33, %dma_wait3A_456, %mul3A_2] : memref<50x304x4096xf32, #tpu.memory_space<hbm>> -> memref<1x8x128xf32, #tpu.memory_space<hbm>>
      %dma_wait3A_458 = tpu.memref_squeeze %dma_wait3A_457 : memref<1x8x128xf32, #tpu.memory_space<hbm>> -> memref<8x128xf32, #tpu.memory_space<hbm>>
      %dma_wait3A_459 = arith.constant 0 : i32
      %dma_wait3A_460 = tpu.memref_slice %arg4[%scan3A_33, %dma_wait3A_459, %mul3A_2] : memref<50x304x4096xf32, #tpu.memory_space<hbm>> -> memref<1x8x128xf32, #tpu.memory_space<hbm>>
      %dma_wait3A_461 = tpu.memref_squeeze %dma_wait3A_460 : memref<1x8x128xf32, #tpu.memory_space<hbm>> -> memref<8x128xf32, #tpu.memory_space<hbm>>
      %dma_wait3A_462 = arith.constant 0 : i32
      %dma_wait3A_463 = arith.constant 0 : i32
      %dma_wait3A_464 = tpu.memref_slice %arg8[%dma_wait3A_451, %dma_wait3A_462, %dma_wait3A_463] : memref<38x8x128xf32, #tpu.memory_space<vmem>> -> memref<1x8x128xf32, #tpu.memory_space<vmem>>
      %dma_wait3A_465 = tpu.memref_squeeze %dma_wait3A_464 : memref<1x8x128xf32, #tpu.memory_space<vmem>> -> memref<8x128xf32, #tpu.memory_space<vmem>>
      tpu.wait_dma2 semaphore(%arg10 : memref<!tpu.dma_semaphore, #tpu.memory_space<semaphore_mem>>) src(%dma_wait3A_465 : memref<8x128xf32, #tpu.memory_space<vmem>>) dst(%dma_wait3A_461 : memref<8x128xf32, #tpu.memory_space<hbm>>)
      %dma_wait3A_466 = arith.constant 0 : i32
      %dma_wait3A_467 = arith.constant 0 : i32
      %dma_wait3A_468 = arith.constant 0 : i32
      %dma_wait3A_469 = tpu.memref_slice %arg8[%dma_wait3A_466, %dma_wait3A_467, %dma_wait3A_468] : memref<38x8x128xf32, #tpu.memory_space<vmem>> -> memref<1x8x128xf32, #tpu.memory_space<vmem>>
      %dma_wait3A_470 = tpu.memref_squeeze %dma_wait3A_469 : memref<1x8x128xf32, #tpu.memory_space<vmem>> -> memref<8x128xf32, #tpu.memory_space<vmem>>
      %dma_wait3A_471 = arith.constant 0 : i32
      %dma_wait3A_472 = tpu.memref_slice %arg4[%scan3A_33, %dma_wait3A_471, %mul3A_2] : memref<50x304x4096xf32, #tpu.memory_space<hbm>> -> memref<1x8x128xf32, #tpu.memory_space<hbm>>
      %dma_wait3A_473 = tpu.memref_squeeze %dma_wait3A_472 : memref<1x8x128xf32, #tpu.memory_space<hbm>> -> memref<8x128xf32, #tpu.memory_space<hbm>>
      %dma_wait3A_474 = arith.constant 0 : i32
      %dma_wait3A_475 = tpu.memref_slice %arg4[%scan3A_33, %dma_wait3A_474, %mul3A_2] : memref<50x304x4096xf32, #tpu.memory_space<hbm>> -> memref<1x8x128xf32, #tpu.memory_space<hbm>>
      %dma_wait3A_476 = tpu.memref_squeeze %dma_wait3A_475 : memref<1x8x128xf32, #tpu.memory_space<hbm>> -> memref<8x128xf32, #tpu.memory_space<hbm>>
      %dma_wait3A_477 = arith.constant 0 : i32
      %dma_wait3A_478 = arith.constant 0 : i32
      %dma_wait3A_479 = tpu.memref_slice %arg8[%dma_wait3A_466, %dma_wait3A_477, %dma_wait3A_478] : memref<38x8x128xf32, #tpu.memory_space<vmem>> -> memref<1x8x128xf32, #tpu.memory_space<vmem>>
      %dma_wait3A_480 = tpu.memref_squeeze %dma_wait3A_479 : memref<1x8x128xf32, #tpu.memory_space<vmem>> -> memref<8x128xf32, #tpu.memory_space<vmem>>
      tpu.wait_dma2 semaphore(%arg10 : memref<!tpu.dma_semaphore, #tpu.memory_space<semaphore_mem>>) src(%dma_wait3A_480 : memref<8x128xf32, #tpu.memory_space<vmem>>) dst(%dma_wait3A_476 : memref<8x128xf32, #tpu.memory_space<hbm>>)
      %dma_wait3A_481 = arith.constant 0 : i32
      %dma_wait3A_482 = arith.constant 0 : i32
      %dma_wait3A_483 = arith.constant 0 : i32
      %dma_wait3A_484 = tpu.memref_slice %arg8[%dma_wait3A_481, %dma_wait3A_482, %dma_wait3A_483] : memref<38x8x128xf32, #tpu.memory_space<vmem>> -> memref<1x8x128xf32, #tpu.memory_space<vmem>>
      %dma_wait3A_485 = tpu.memref_squeeze %dma_wait3A_484 : memref<1x8x128xf32, #tpu.memory_space<vmem>> -> memref<8x128xf32, #tpu.memory_space<vmem>>
      %dma_wait3A_486 = arith.constant 0 : i32
      %dma_wait3A_487 = tpu.memref_slice %arg4[%scan3A_33, %dma_wait3A_486, %mul3A_2] : memref<50x304x4096xf32, #tpu.memory_space<hbm>> -> memref<1x8x128xf32, #tpu.memory_space<hbm>>
      %dma_wait3A_488 = tpu.memref_squeeze %dma_wait3A_487 : memref<1x8x128xf32, #tpu.memory_space<hbm>> -> memref<8x128xf32, #tpu.memory_space<hbm>>
      %dma_wait3A_489 = arith.constant 0 : i32
      %dma_wait3A_490 = tpu.memref_slice %arg4[%scan3A_33, %dma_wait3A_489, %mul3A_2] : memref<50x304x4096xf32, #tpu.memory_space<hbm>> -> memref<1x8x128xf32, #tpu.memory_space<hbm>>
      %dma_wait3A_491 = tpu.memref_squeeze %dma_wait3A_490 : memref<1x8x128xf32, #tpu.memory_space<hbm>> -> memref<8x128xf32, #tpu.memory_space<hbm>>
      %dma_wait3A_492 = arith.constant 0 : i32
      %dma_wait3A_493 = arith.constant 0 : i32
      %dma_wait3A_494 = tpu.memref_slice %arg8[%dma_wait3A_481, %dma_wait3A_492, %dma_wait3A_493] : memref<38x8x128xf32, #tpu.memory_space<vmem>> -> memref<1x8x128xf32, #tpu.memory_space<vmem>>
      %dma_wait3A_495 = tpu.memref_squeeze %dma_wait3A_494 : memref<1x8x128xf32, #tpu.memory_space<vmem>> -> memref<8x128xf32, #tpu.memory_space<vmem>>
      tpu.wait_dma2 semaphore(%arg10 : memref<!tpu.dma_semaphore, #tpu.memory_space<semaphore_mem>>) src(%dma_wait3A_495 : memref<8x128xf32, #tpu.memory_space<vmem>>) dst(%dma_wait3A_491 : memref<8x128xf32, #tpu.memory_space<hbm>>)
      %dma_wait3A_496 = arith.constant 0 : i32
      %dma_wait3A_497 = arith.constant 0 : i32
      %dma_wait3A_498 = arith.constant 0 : i32
      %dma_wait3A_499 = tpu.memref_slice %arg8[%dma_wait3A_496, %dma_wait3A_497, %dma_wait3A_498] : memref<38x8x128xf32, #tpu.memory_space<vmem>> -> memref<1x8x128xf32, #tpu.memory_space<vmem>>
      %dma_wait3A_500 = tpu.memref_squeeze %dma_wait3A_499 : memref<1x8x128xf32, #tpu.memory_space<vmem>> -> memref<8x128xf32, #tpu.memory_space<vmem>>
      %dma_wait3A_501 = arith.constant 0 : i32
      %dma_wait3A_502 = tpu.memref_slice %arg4[%scan3A_33, %dma_wait3A_501, %mul3A_2] : memref<50x304x4096xf32, #tpu.memory_space<hbm>> -> memref<1x8x128xf32, #tpu.memory_space<hbm>>
      %dma_wait3A_503 = tpu.memref_squeeze %dma_wait3A_502 : memref<1x8x128xf32, #tpu.memory_space<hbm>> -> memref<8x128xf32, #tpu.memory_space<hbm>>
      %dma_wait3A_504 = arith.constant 0 : i32
      %dma_wait3A_505 = tpu.memref_slice %arg4[%scan3A_33, %dma_wait3A_504, %mul3A_2] : memref<50x304x4096xf32, #tpu.memory_space<hbm>> -> memref<1x8x128xf32, #tpu.memory_space<hbm>>
      %dma_wait3A_506 = tpu.memref_squeeze %dma_wait3A_505 : memref<1x8x128xf32, #tpu.memory_space<hbm>> -> memref<8x128xf32, #tpu.memory_space<hbm>>
      %dma_wait3A_507 = arith.constant 0 : i32
      %dma_wait3A_508 = arith.constant 0 : i32
      %dma_wait3A_509 = tpu.memref_slice %arg8[%dma_wait3A_496, %dma_wait3A_507, %dma_wait3A_508] : memref<38x8x128xf32, #tpu.memory_space<vmem>> -> memref<1x8x128xf32, #tpu.memory_space<vmem>>
      %dma_wait3A_510 = tpu.memref_squeeze %dma_wait3A_509 : memref<1x8x128xf32, #tpu.memory_space<vmem>> -> memref<8x128xf32, #tpu.memory_space<vmem>>
      tpu.wait_dma2 semaphore(%arg10 : memref<!tpu.dma_semaphore, #tpu.memory_space<semaphore_mem>>) src(%dma_wait3A_510 : memref<8x128xf32, #tpu.memory_space<vmem>>) dst(%dma_wait3A_506 : memref<8x128xf32, #tpu.memory_space<hbm>>)
      %dma_wait3A_511 = arith.constant 0 : i32
      %dma_wait3A_512 = arith.constant 0 : i32
      %dma_wait3A_513 = arith.constant 0 : i32
      %dma_wait3A_514 = tpu.memref_slice %arg8[%dma_wait3A_511, %dma_wait3A_512, %dma_wait3A_513] : memref<38x8x128xf32, #tpu.memory_space<vmem>> -> memref<1x8x128xf32, #tpu.memory_space<vmem>>
      %dma_wait3A_515 = tpu.memref_squeeze %dma_wait3A_514 : memref<1x8x128xf32, #tpu.memory_space<vmem>> -> memref<8x128xf32, #tpu.memory_space<vmem>>
      %dma_wait3A_516 = arith.constant 0 : i32
      %dma_wait3A_517 = tpu.memref_slice %arg4[%scan3A_33, %dma_wait3A_516, %mul3A_2] : memref<50x304x4096xf32, #tpu.memory_space<hbm>> -> memref<1x8x128xf32, #tpu.memory_space<hbm>>
      %dma_wait3A_518 = tpu.memref_squeeze %dma_wait3A_517 : memref<1x8x128xf32, #tpu.memory_space<hbm>> -> memref<8x128xf32, #tpu.memory_space<hbm>>
      %dma_wait3A_519 = arith.constant 0 : i32
      %dma_wait3A_520 = tpu.memref_slice %arg4[%scan3A_33, %dma_wait3A_519, %mul3A_2] : memref<50x304x4096xf32, #tpu.memory_space<hbm>> -> memref<1x8x128xf32, #tpu.memory_space<hbm>>
      %dma_wait3A_521 = tpu.memref_squeeze %dma_wait3A_520 : memref<1x8x128xf32, #tpu.memory_space<hbm>> -> memref<8x128xf32, #tpu.memory_space<hbm>>
      %dma_wait3A_522 = arith.constant 0 : i32
      %dma_wait3A_523 = arith.constant 0 : i32
      %dma_wait3A_524 = tpu.memref_slice %arg8[%dma_wait3A_511, %dma_wait3A_522, %dma_wait3A_523] : memref<38x8x128xf32, #tpu.memory_space<vmem>> -> memref<1x8x128xf32, #tpu.memory_space<vmem>>
      %dma_wait3A_525 = tpu.memref_squeeze %dma_wait3A_524 : memref<1x8x128xf32, #tpu.memory_space<vmem>> -> memref<8x128xf32, #tpu.memory_space<vmem>>
      tpu.wait_dma2 semaphore(%arg10 : memref<!tpu.dma_semaphore, #tpu.memory_space<semaphore_mem>>) src(%dma_wait3A_525 : memref<8x128xf32, #tpu.memory_space<vmem>>) dst(%dma_wait3A_521 : memref<8x128xf32, #tpu.memory_space<hbm>>)
      %dma_wait3A_526 = arith.constant 0 : i32
      %dma_wait3A_527 = arith.constant 0 : i32
      %dma_wait3A_528 = arith.constant 0 : i32
      %dma_wait3A_529 = tpu.memref_slice %arg8[%dma_wait3A_526, %dma_wait3A_527, %dma_wait3A_528] : memref<38x8x128xf32, #tpu.memory_space<vmem>> -> memref<1x8x128xf32, #tpu.memory_space<vmem>>
      %dma_wait3A_530 = tpu.memref_squeeze %dma_wait3A_529 : memref<1x8x128xf32, #tpu.memory_space<vmem>> -> memref<8x128xf32, #tpu.memory_space<vmem>>
      %dma_wait3A_531 = arith.constant 0 : i32
      %dma_wait3A_532 = tpu.memref_slice %arg4[%scan3A_33, %dma_wait3A_531, %mul3A_2] : memref<50x304x4096xf32, #tpu.memory_space<hbm>> -> memref<1x8x128xf32, #tpu.memory_space<hbm>>
      %dma_wait3A_533 = tpu.memref_squeeze %dma_wait3A_532 : memref<1x8x128xf32, #tpu.memory_space<hbm>> -> memref<8x128xf32, #tpu.memory_space<hbm>>
      %dma_wait3A_534 = arith.constant 0 : i32
      %dma_wait3A_535 = tpu.memref_slice %arg4[%scan3A_33, %dma_wait3A_534, %mul3A_2] : memref<50x304x4096xf32, #tpu.memory_space<hbm>> -> memref<1x8x128xf32, #tpu.memory_space<hbm>>
      %dma_wait3A_536 = tpu.memref_squeeze %dma_wait3A_535 : memref<1x8x128xf32, #tpu.memory_space<hbm>> -> memref<8x128xf32, #tpu.memory_space<hbm>>
      %dma_wait3A_537 = arith.constant 0 : i32
      %dma_wait3A_538 = arith.constant 0 : i32
      %dma_wait3A_539 = tpu.memref_slice %arg8[%dma_wait3A_526, %dma_wait3A_537, %dma_wait3A_538] : memref<38x8x128xf32, #tpu.memory_space<vmem>> -> memref<1x8x128xf32, #tpu.memory_space<vmem>>
      %dma_wait3A_540 = tpu.memref_squeeze %dma_wait3A_539 : memref<1x8x128xf32, #tpu.memory_space<vmem>> -> memref<8x128xf32, #tpu.memory_space<vmem>>
      tpu.wait_dma2 semaphore(%arg10 : memref<!tpu.dma_semaphore, #tpu.memory_space<semaphore_mem>>) src(%dma_wait3A_540 : memref<8x128xf32, #tpu.memory_space<vmem>>) dst(%dma_wait3A_536 : memref<8x128xf32, #tpu.memory_space<hbm>>)
      %dma_wait3A_541 = arith.constant 0 : i32
      %dma_wait3A_542 = arith.constant 0 : i32
      %dma_wait3A_543 = arith.constant 0 : i32
      %dma_wait3A_544 = tpu.memref_slice %arg8[%dma_wait3A_541, %dma_wait3A_542, %dma_wait3A_543] : memref<38x8x128xf32, #tpu.memory_space<vmem>> -> memref<1x8x128xf32, #tpu.memory_space<vmem>>
      %dma_wait3A_545 = tpu.memref_squeeze %dma_wait3A_544 : memref<1x8x128xf32, #tpu.memory_space<vmem>> -> memref<8x128xf32, #tpu.memory_space<vmem>>
      %dma_wait3A_546 = arith.constant 0 : i32
      %dma_wait3A_547 = tpu.memref_slice %arg4[%scan3A_33, %dma_wait3A_546, %mul3A_2] : memref<50x304x4096xf32, #tpu.memory_space<hbm>> -> memref<1x8x128xf32, #tpu.memory_space<hbm>>
      %dma_wait3A_548 = tpu.memref_squeeze %dma_wait3A_547 : memref<1x8x128xf32, #tpu.memory_space<hbm>> -> memref<8x128xf32, #tpu.memory_space<hbm>>
      %dma_wait3A_549 = arith.constant 0 : i32
      %dma_wait3A_550 = tpu.memref_slice %arg4[%scan3A_33, %dma_wait3A_549, %mul3A_2] : memref<50x304x4096xf32, #tpu.memory_space<hbm>> -> memref<1x8x128xf32, #tpu.memory_space<hbm>>
      %dma_wait3A_551 = tpu.memref_squeeze %dma_wait3A_550 : memref<1x8x128xf32, #tpu.memory_space<hbm>> -> memref<8x128xf32, #tpu.memory_space<hbm>>
      %dma_wait3A_552 = arith.constant 0 : i32
      %dma_wait3A_553 = arith.constant 0 : i32
      %dma_wait3A_554 = tpu.memref_slice %arg8[%dma_wait3A_541, %dma_wait3A_552, %dma_wait3A_553] : memref<38x8x128xf32, #tpu.memory_space<vmem>> -> memref<1x8x128xf32, #tpu.memory_space<vmem>>
      %dma_wait3A_555 = tpu.memref_squeeze %dma_wait3A_554 : memref<1x8x128xf32, #tpu.memory_space<vmem>> -> memref<8x128xf32, #tpu.memory_space<vmem>>
      tpu.wait_dma2 semaphore(%arg10 : memref<!tpu.dma_semaphore, #tpu.memory_space<semaphore_mem>>) src(%dma_wait3A_555 : memref<8x128xf32, #tpu.memory_space<vmem>>) dst(%dma_wait3A_551 : memref<8x128xf32, #tpu.memory_space<hbm>>)
      %dma_wait3A_556 = arith.constant 0 : i32
      %dma_wait3A_557 = arith.constant 0 : i32
      %dma_wait3A_558 = arith.constant 0 : i32
      %dma_wait3A_559 = tpu.memref_slice %arg8[%dma_wait3A_556, %dma_wait3A_557, %dma_wait3A_558] : memref<38x8x128xf32, #tpu.memory_space<vmem>> -> memref<1x8x128xf32, #tpu.memory_space<vmem>>
      %dma_wait3A_560 = tpu.memref_squeeze %dma_wait3A_559 : memref<1x8x128xf32, #tpu.memory_space<vmem>> -> memref<8x128xf32, #tpu.memory_space<vmem>>
      %dma_wait3A_561 = arith.constant 0 : i32
      %dma_wait3A_562 = tpu.memref_slice %arg4[%scan3A_33, %dma_wait3A_561, %mul3A_2] : memref<50x304x4096xf32, #tpu.memory_space<hbm>> -> memref<1x8x128xf32, #tpu.memory_space<hbm>>
      %dma_wait3A_563 = tpu.memref_squeeze %dma_wait3A_562 : memref<1x8x128xf32, #tpu.memory_space<hbm>> -> memref<8x128xf32, #tpu.memory_space<hbm>>
      %dma_wait3A_564 = arith.constant 0 : i32
      %dma_wait3A_565 = tpu.memref_slice %arg4[%scan3A_33, %dma_wait3A_564, %mul3A_2] : memref<50x304x4096xf32, #tpu.memory_space<hbm>> -> memref<1x8x128xf32, #tpu.memory_space<hbm>>
      %dma_wait3A_566 = tpu.memref_squeeze %dma_wait3A_565 : memref<1x8x128xf32, #tpu.memory_space<hbm>> -> memref<8x128xf32, #tpu.memory_space<hbm>>
      %dma_wait3A_567 = arith.constant 0 : i32
      %dma_wait3A_568 = arith.constant 0 : i32
      %dma_wait3A_569 = tpu.memref_slice %arg8[%dma_wait3A_556, %dma_wait3A_567, %dma_wait3A_568] : memref<38x8x128xf32, #tpu.memory_space<vmem>> -> memref<1x8x128xf32, #tpu.memory_space<vmem>>
      %dma_wait3A_570 = tpu.memref_squeeze %dma_wait3A_569 : memref<1x8x128xf32, #tpu.memory_space<vmem>> -> memref<8x128xf32, #tpu.memory_space<vmem>>
      tpu.wait_dma2 semaphore(%arg10 : memref<!tpu.dma_semaphore, #tpu.memory_space<semaphore_mem>>) src(%dma_wait3A_570 : memref<8x128xf32, #tpu.memory_space<vmem>>) dst(%dma_wait3A_566 : memref<8x128xf32, #tpu.memory_space<hbm>>)
      %dma_wait3A_571 = arith.constant 0 : i32
      %dma_wait3A_572 = arith.constant 0 : i32
      %dma_wait3A_573 = arith.constant 0 : i32
      %dma_wait3A_574 = tpu.memref_slice %arg8[%dma_wait3A_571, %dma_wait3A_572, %dma_wait3A_573] : memref<38x8x128xf32, #tpu.memory_space<vmem>> -> memref<1x8x128xf32, #tpu.memory_space<vmem>>
      %dma_wait3A_575 = tpu.memref_squeeze %dma_wait3A_574 : memref<1x8x128xf32, #tpu.memory_space<vmem>> -> memref<8x128xf32, #tpu.memory_space<vmem>>
      %dma_wait3A_576 = arith.constant 0 : i32
      %dma_wait3A_577 = tpu.memref_slice %arg4[%scan3A_33, %dma_wait3A_576, %mul3A_2] : memref<50x304x4096xf32, #tpu.memory_space<hbm>> -> memref<1x8x128xf32, #tpu.memory_space<hbm>>
      %dma_wait3A_578 = tpu.memref_squeeze %dma_wait3A_577 : memref<1x8x128xf32, #tpu.memory_space<hbm>> -> memref<8x128xf32, #tpu.memory_space<hbm>>
      %dma_wait3A_579 = arith.constant 0 : i32
      %dma_wait3A_580 = tpu.memref_slice %arg4[%scan3A_33, %dma_wait3A_579, %mul3A_2] : memref<50x304x4096xf32, #tpu.memory_space<hbm>> -> memref<1x8x128xf32, #tpu.memory_space<hbm>>
      %dma_wait3A_581 = tpu.memref_squeeze %dma_wait3A_580 : memref<1x8x128xf32, #tpu.memory_space<hbm>> -> memref<8x128xf32, #tpu.memory_space<hbm>>
      %dma_wait3A_582 = arith.constant 0 : i32
      %dma_wait3A_583 = arith.constant 0 : i32
      %dma_wait3A_584 = tpu.memref_slice %arg8[%dma_wait3A_571, %dma_wait3A_582, %dma_wait3A_583] : memref<38x8x128xf32, #tpu.memory_space<vmem>> -> memref<1x8x128xf32, #tpu.memory_space<vmem>>
      %dma_wait3A_585 = tpu.memref_squeeze %dma_wait3A_584 : memref<1x8x128xf32, #tpu.memory_space<vmem>> -> memref<8x128xf32, #tpu.memory_space<vmem>>
      tpu.wait_dma2 semaphore(%arg10 : memref<!tpu.dma_semaphore, #tpu.memory_space<semaphore_mem>>) src(%dma_wait3A_585 : memref<8x128xf32, #tpu.memory_space<vmem>>) dst(%dma_wait3A_581 : memref<8x128xf32, #tpu.memory_space<hbm>>)
      %dma_wait3A_586 = arith.constant 0 : i32
      %dma_wait3A_587 = arith.constant 0 : i32
      %dma_wait3A_588 = arith.constant 0 : i32
      %dma_wait3A_589 = tpu.memref_slice %arg8[%dma_wait3A_586, %dma_wait3A_587, %dma_wait3A_588] : memref<38x8x128xf32, #tpu.memory_space<vmem>> -> memref<1x8x128xf32, #tpu.memory_space<vmem>>
      %dma_wait3A_590 = tpu.memref_squeeze %dma_wait3A_589 : memref<1x8x128xf32, #tpu.memory_space<vmem>> -> memref<8x128xf32, #tpu.memory_space<vmem>>
      %dma_wait3A_591 = arith.constant 0 : i32
      %dma_wait3A_592 = tpu.memref_slice %arg4[%scan3A_33, %dma_wait3A_591, %mul3A_2] : memref<50x304x4096xf32, #tpu.memory_space<hbm>> -> memref<1x8x128xf32, #tpu.memory_space<hbm>>
      %dma_wait3A_593 = tpu.memref_squeeze %dma_wait3A_592 : memref<1x8x128xf32, #tpu.memory_space<hbm>> -> memref<8x128xf32, #tpu.memory_space<hbm>>
      %dma_wait3A_594 = arith.constant 0 : i32
      %dma_wait3A_595 = tpu.memref_slice %arg4[%scan3A_33, %dma_wait3A_594, %mul3A_2] : memref<50x304x4096xf32, #tpu.memory_space<hbm>> -> memref<1x8x128xf32, #tpu.memory_space<hbm>>
      %dma_wait3A_596 = tpu.memref_squeeze %dma_wait3A_595 : memref<1x8x128xf32, #tpu.memory_space<hbm>> -> memref<8x128xf32, #tpu.memory_space<hbm>>
      %dma_wait3A_597 = arith.constant 0 : i32
      %dma_wait3A_598 = arith.constant 0 : i32
      %dma_wait3A_599 = tpu.memref_slice %arg8[%dma_wait3A_586, %dma_wait3A_597, %dma_wait3A_598] : memref<38x8x128xf32, #tpu.memory_space<vmem>> -> memref<1x8x128xf32, #tpu.memory_space<vmem>>
      %dma_wait3A_600 = tpu.memref_squeeze %dma_wait3A_599 : memref<1x8x128xf32, #tpu.memory_space<vmem>> -> memref<8x128xf32, #tpu.memory_space<vmem>>
      tpu.wait_dma2 semaphore(%arg10 : memref<!tpu.dma_semaphore, #tpu.memory_space<semaphore_mem>>) src(%dma_wait3A_600 : memref<8x128xf32, #tpu.memory_space<vmem>>) dst(%dma_wait3A_596 : memref<8x128xf32, #tpu.memory_space<hbm>>)
      %dma_wait3A_601 = arith.constant 0 : i32
      %dma_wait3A_602 = arith.constant 0 : i32
      %dma_wait3A_603 = arith.constant 0 : i32
      %dma_wait3A_604 = tpu.memref_slice %arg8[%dma_wait3A_601, %dma_wait3A_602, %dma_wait3A_603] : memref<38x8x128xf32, #tpu.memory_space<vmem>> -> memref<1x8x128xf32, #tpu.memory_space<vmem>>
      %dma_wait3A_605 = tpu.memref_squeeze %dma_wait3A_604 : memref<1x8x128xf32, #tpu.memory_space<vmem>> -> memref<8x128xf32, #tpu.memory_space<vmem>>
      %dma_wait3A_606 = arith.constant 0 : i32
      %dma_wait3A_607 = tpu.memref_slice %arg4[%scan3A_33, %dma_wait3A_606, %mul3A_2] : memref<50x304x4096xf32, #tpu.memory_space<hbm>> -> memref<1x8x128xf32, #tpu.memory_space<hbm>>
      %dma_wait3A_608 = tpu.memref_squeeze %dma_wait3A_607 : memref<1x8x128xf32, #tpu.memory_space<hbm>> -> memref<8x128xf32, #tpu.memory_space<hbm>>
      %dma_wait3A_609 = arith.constant 0 : i32
      %dma_wait3A_610 = tpu.memref_slice %arg4[%scan3A_33, %dma_wait3A_609, %mul3A_2] : memref<50x304x4096xf32, #tpu.memory_space<hbm>> -> memref<1x8x128xf32, #tpu.memory_space<hbm>>
      %dma_wait3A_611 = tpu.memref_squeeze %dma_wait3A_610 : memref<1x8x128xf32, #tpu.memory_space<hbm>> -> memref<8x128xf32, #tpu.memory_space<hbm>>
      %dma_wait3A_612 = arith.constant 0 : i32
      %dma_wait3A_613 = arith.constant 0 : i32
      %dma_wait3A_614 = tpu.memref_slice %arg8[%dma_wait3A_601, %dma_wait3A_612, %dma_wait3A_613] : memref<38x8x128xf32, #tpu.memory_space<vmem>> -> memref<1x8x128xf32, #tpu.memory_space<vmem>>
      %dma_wait3A_615 = tpu.memref_squeeze %dma_wait3A_614 : memref<1x8x128xf32, #tpu.memory_space<vmem>> -> memref<8x128xf32, #tpu.memory_space<vmem>>
      tpu.wait_dma2 semaphore(%arg10 : memref<!tpu.dma_semaphore, #tpu.memory_space<semaphore_mem>>) src(%dma_wait3A_615 : memref<8x128xf32, #tpu.memory_space<vmem>>) dst(%dma_wait3A_611 : memref<8x128xf32, #tpu.memory_space<hbm>>)
      %dma_wait3A_616 = arith.constant 0 : i32
      %dma_wait3A_617 = arith.constant 0 : i32
      %dma_wait3A_618 = arith.constant 0 : i32
      %dma_wait3A_619 = tpu.memref_slice %arg8[%dma_wait3A_616, %dma_wait3A_617, %dma_wait3A_618] : memref<38x8x128xf32, #tpu.memory_space<vmem>> -> memref<1x8x128xf32, #tpu.memory_space<vmem>>
      %dma_wait3A_620 = tpu.memref_squeeze %dma_wait3A_619 : memref<1x8x128xf32, #tpu.memory_space<vmem>> -> memref<8x128xf32, #tpu.memory_space<vmem>>
      %dma_wait3A_621 = arith.constant 0 : i32
      %dma_wait3A_622 = tpu.memref_slice %arg4[%scan3A_33, %dma_wait3A_621, %mul3A_2] : memref<50x304x4096xf32, #tpu.memory_space<hbm>> -> memref<1x8x128xf32, #tpu.memory_space<hbm>>
      %dma_wait3A_623 = tpu.memref_squeeze %dma_wait3A_622 : memref<1x8x128xf32, #tpu.memory_space<hbm>> -> memref<8x128xf32, #tpu.memory_space<hbm>>
      %dma_wait3A_624 = arith.constant 0 : i32
      %dma_wait3A_625 = tpu.memref_slice %arg4[%scan3A_33, %dma_wait3A_624, %mul3A_2] : memref<50x304x4096xf32, #tpu.memory_space<hbm>> -> memref<1x8x128xf32, #tpu.memory_space<hbm>>
      %dma_wait3A_626 = tpu.memref_squeeze %dma_wait3A_625 : memref<1x8x128xf32, #tpu.memory_space<hbm>> -> memref<8x128xf32, #tpu.memory_space<hbm>>
      %dma_wait3A_627 = arith.constant 0 : i32
      %dma_wait3A_628 = arith.constant 0 : i32
      %dma_wait3A_629 = tpu.memref_slice %arg8[%dma_wait3A_616, %dma_wait3A_627, %dma_wait3A_628] : memref<38x8x128xf32, #tpu.memory_space<vmem>> -> memref<1x8x128xf32, #tpu.memory_space<vmem>>
      %dma_wait3A_630 = tpu.memref_squeeze %dma_wait3A_629 : memref<1x8x128xf32, #tpu.memory_space<vmem>> -> memref<8x128xf32, #tpu.memory_space<vmem>>
      tpu.wait_dma2 semaphore(%arg10 : memref<!tpu.dma_semaphore, #tpu.memory_space<semaphore_mem>>) src(%dma_wait3A_630 : memref<8x128xf32, #tpu.memory_space<vmem>>) dst(%dma_wait3A_626 : memref<8x128xf32, #tpu.memory_space<hbm>>)
      %dma_wait3A_631 = arith.constant 0 : i32
      %dma_wait3A_632 = arith.constant 0 : i32
      %dma_wait3A_633 = arith.constant 0 : i32
      %dma_wait3A_634 = tpu.memref_slice %arg8[%dma_wait3A_631, %dma_wait3A_632, %dma_wait3A_633] : memref<38x8x128xf32, #tpu.memory_space<vmem>> -> memref<1x8x128xf32, #tpu.memory_space<vmem>>
      %dma_wait3A_635 = tpu.memref_squeeze %dma_wait3A_634 : memref<1x8x128xf32, #tpu.memory_space<vmem>> -> memref<8x128xf32, #tpu.memory_space<vmem>>
      %dma_wait3A_636 = arith.constant 0 : i32
      %dma_wait3A_637 = tpu.memref_slice %arg4[%scan3A_33, %dma_wait3A_636, %mul3A_2] : memref<50x304x4096xf32, #tpu.memory_space<hbm>> -> memref<1x8x128xf32, #tpu.memory_space<hbm>>
      %dma_wait3A_638 = tpu.memref_squeeze %dma_wait3A_637 : memref<1x8x128xf32, #tpu.memory_space<hbm>> -> memref<8x128xf32, #tpu.memory_space<hbm>>
      %dma_wait3A_639 = arith.constant 0 : i32
      %dma_wait3A_640 = tpu.memref_slice %arg4[%scan3A_33, %dma_wait3A_639, %mul3A_2] : memref<50x304x4096xf32, #tpu.memory_space<hbm>> -> memref<1x8x128xf32, #tpu.memory_space<hbm>>
      %dma_wait3A_641 = tpu.memref_squeeze %dma_wait3A_640 : memref<1x8x128xf32, #tpu.memory_space<hbm>> -> memref<8x128xf32, #tpu.memory_space<hbm>>
      %dma_wait3A_642 = arith.constant 0 : i32
      %dma_wait3A_643 = arith.constant 0 : i32
      %dma_wait3A_644 = tpu.memref_slice %arg8[%dma_wait3A_631, %dma_wait3A_642, %dma_wait3A_643] : memref<38x8x128xf32, #tpu.memory_space<vmem>> -> memref<1x8x128xf32, #tpu.memory_space<vmem>>
      %dma_wait3A_645 = tpu.memref_squeeze %dma_wait3A_644 : memref<1x8x128xf32, #tpu.memory_space<vmem>> -> memref<8x128xf32, #tpu.memory_space<vmem>>
      tpu.wait_dma2 semaphore(%arg10 : memref<!tpu.dma_semaphore, #tpu.memory_space<semaphore_mem>>) src(%dma_wait3A_645 : memref<8x128xf32, #tpu.memory_space<vmem>>) dst(%dma_wait3A_641 : memref<8x128xf32, #tpu.memory_space<hbm>>)
      %dma_wait3A_646 = arith.constant 0 : i32
      %dma_wait3A_647 = arith.constant 0 : i32
      %dma_wait3A_648 = arith.constant 0 : i32
      %dma_wait3A_649 = tpu.memref_slice %arg8[%dma_wait3A_646, %dma_wait3A_647, %dma_wait3A_648] : memref<38x8x128xf32, #tpu.memory_space<vmem>> -> memref<1x8x128xf32, #tpu.memory_space<vmem>>
      %dma_wait3A_650 = tpu.memref_squeeze %dma_wait3A_649 : memref<1x8x128xf32, #tpu.memory_space<vmem>> -> memref<8x128xf32, #tpu.memory_space<vmem>>
      %dma_wait3A_651 = arith.constant 0 : i32
      %dma_wait3A_652 = tpu.memref_slice %arg4[%scan3A_33, %dma_wait3A_651, %mul3A_2] : memref<50x304x4096xf32, #tpu.memory_space<hbm>> -> memref<1x8x128xf32, #tpu.memory_space<hbm>>
      %dma_wait3A_653 = tpu.memref_squeeze %dma_wait3A_652 : memref<1x8x128xf32, #tpu.memory_space<hbm>> -> memref<8x128xf32, #tpu.memory_space<hbm>>
      %dma_wait3A_654 = arith.constant 0 : i32
      %dma_wait3A_655 = tpu.memref_slice %arg4[%scan3A_33, %dma_wait3A_654, %mul3A_2] : memref<50x304x4096xf32, #tpu.memory_space<hbm>> -> memref<1x8x128xf32, #tpu.memory_space<hbm>>
      %dma_wait3A_656 = tpu.memref_squeeze %dma_wait3A_655 : memref<1x8x128xf32, #tpu.memory_space<hbm>> -> memref<8x128xf32, #tpu.memory_space<hbm>>
      %dma_wait3A_657 = arith.constant 0 : i32
      %dma_wait3A_658 = arith.constant 0 : i32
      %dma_wait3A_659 = tpu.memref_slice %arg8[%dma_wait3A_646, %dma_wait3A_657, %dma_wait3A_658] : memref<38x8x128xf32, #tpu.memory_space<vmem>> -> memref<1x8x128xf32, #tpu.memory_space<vmem>>
      %dma_wait3A_660 = tpu.memref_squeeze %dma_wait3A_659 : memref<1x8x128xf32, #tpu.memory_space<vmem>> -> memref<8x128xf32, #tpu.memory_space<vmem>>
      tpu.wait_dma2 semaphore(%arg10 : memref<!tpu.dma_semaphore, #tpu.memory_space<semaphore_mem>>) src(%dma_wait3A_660 : memref<8x128xf32, #tpu.memory_space<vmem>>) dst(%dma_wait3A_656 : memref<8x128xf32, #tpu.memory_space<hbm>>)
      %dma_wait3A_661 = arith.constant 0 : i32
      %dma_wait3A_662 = arith.constant 0 : i32
      %dma_wait3A_663 = arith.constant 0 : i32
      %dma_wait3A_664 = tpu.memref_slice %arg8[%dma_wait3A_661, %dma_wait3A_662, %dma_wait3A_663] : memref<38x8x128xf32, #tpu.memory_space<vmem>> -> memref<1x8x128xf32, #tpu.memory_space<vmem>>
      %dma_wait3A_665 = tpu.memref_squeeze %dma_wait3A_664 : memref<1x8x128xf32, #tpu.memory_space<vmem>> -> memref<8x128xf32, #tpu.memory_space<vmem>>
      %dma_wait3A_666 = arith.constant 0 : i32
      %dma_wait3A_667 = tpu.memref_slice %arg4[%scan3A_33, %dma_wait3A_666, %mul3A_2] : memref<50x304x4096xf32, #tpu.memory_space<hbm>> -> memref<1x8x128xf32, #tpu.memory_space<hbm>>
      %dma_wait3A_668 = tpu.memref_squeeze %dma_wait3A_667 : memref<1x8x128xf32, #tpu.memory_space<hbm>> -> memref<8x128xf32, #tpu.memory_space<hbm>>
      %dma_wait3A_669 = arith.constant 0 : i32
      %dma_wait3A_670 = tpu.memref_slice %arg4[%scan3A_33, %dma_wait3A_669, %mul3A_2] : memref<50x304x4096xf32, #tpu.memory_space<hbm>> -> memref<1x8x128xf32, #tpu.memory_space<hbm>>
      %dma_wait3A_671 = tpu.memref_squeeze %dma_wait3A_670 : memref<1x8x128xf32, #tpu.memory_space<hbm>> -> memref<8x128xf32, #tpu.memory_space<hbm>>
      %dma_wait3A_672 = arith.constant 0 : i32
      %dma_wait3A_673 = arith.constant 0 : i32
      %dma_wait3A_674 = tpu.memref_slice %arg8[%dma_wait3A_661, %dma_wait3A_672, %dma_wait3A_673] : memref<38x8x128xf32, #tpu.memory_space<vmem>> -> memref<1x8x128xf32, #tpu.memory_space<vmem>>
      %dma_wait3A_675 = tpu.memref_squeeze %dma_wait3A_674 : memref<1x8x128xf32, #tpu.memory_space<vmem>> -> memref<8x128xf32, #tpu.memory_space<vmem>>
      tpu.wait_dma2 semaphore(%arg10 : memref<!tpu.dma_semaphore, #tpu.memory_space<semaphore_mem>>) src(%dma_wait3A_675 : memref<8x128xf32, #tpu.memory_space<vmem>>) dst(%dma_wait3A_671 : memref<8x128xf32, #tpu.memory_space<hbm>>)
      %dma_wait3A_676 = arith.constant 0 : i32
      %dma_wait3A_677 = arith.constant 0 : i32
      %dma_wait3A_678 = arith.constant 0 : i32
      %dma_wait3A_679 = tpu.memref_slice %arg8[%dma_wait3A_676, %dma_wait3A_677, %dma_wait3A_678] : memref<38x8x128xf32, #tpu.memory_space<vmem>> -> memref<1x8x128xf32, #tpu.memory_space<vmem>>
      %dma_wait3A_680 = tpu.memref_squeeze %dma_wait3A_679 : memref<1x8x128xf32, #tpu.memory_space<vmem>> -> memref<8x128xf32, #tpu.memory_space<vmem>>
      %dma_wait3A_681 = arith.constant 0 : i32
      %dma_wait3A_682 = tpu.memref_slice %arg4[%scan3A_33, %dma_wait3A_681, %mul3A_2] : memref<50x304x4096xf32, #tpu.memory_space<hbm>> -> memref<1x8x128xf32, #tpu.memory_space<hbm>>
      %dma_wait3A_683 = tpu.memref_squeeze %dma_wait3A_682 : memref<1x8x128xf32, #tpu.memory_space<hbm>> -> memref<8x128xf32, #tpu.memory_space<hbm>>
      %dma_wait3A_684 = arith.constant 0 : i32
      %dma_wait3A_685 = tpu.memref_slice %arg4[%scan3A_33, %dma_wait3A_684, %mul3A_2] : memref<50x304x4096xf32, #tpu.memory_space<hbm>> -> memref<1x8x128xf32, #tpu.memory_space<hbm>>
      %dma_wait3A_686 = tpu.memref_squeeze %dma_wait3A_685 : memref<1x8x128xf32, #tpu.memory_space<hbm>> -> memref<8x128xf32, #tpu.memory_space<hbm>>
      %dma_wait3A_687 = arith.constant 0 : i32
      %dma_wait3A_688 = arith.constant 0 : i32
      %dma_wait3A_689 = tpu.memref_slice %arg8[%dma_wait3A_676, %dma_wait3A_687, %dma_wait3A_688] : memref<38x8x128xf32, #tpu.memory_space<vmem>> -> memref<1x8x128xf32, #tpu.memory_space<vmem>>
      %dma_wait3A_690 = tpu.memref_squeeze %dma_wait3A_689 : memref<1x8x128xf32, #tpu.memory_space<vmem>> -> memref<8x128xf32, #tpu.memory_space<vmem>>
      tpu.wait_dma2 semaphore(%arg10 : memref<!tpu.dma_semaphore, #tpu.memory_space<semaphore_mem>>) src(%dma_wait3A_690 : memref<8x128xf32, #tpu.memory_space<vmem>>) dst(%dma_wait3A_686 : memref<8x128xf32, #tpu.memory_space<hbm>>)
    }
    %scan3A_32 = arith.constant 50 : i32
    return
  }
}

</mosaic_0001>

<sc_bundles>
// kernel: kernel.3.cloned.1.call-start
scs
__scs_entry_jumppad:
0x0: {  	(pc) =	sbr.rel $0x88, $3  }
0x1: {  	(tag) =	ssettag $0x0;
	lr =	simm.s32 $0x1  }
0x2: {  	[smem:$0x3F9F] =	sst lr;
	_ =	strace $0xD0000000  }
0x3: {  	_ = 	snop  }
0x4: {  	_ = 	snop  }
0x5: {  	_ = 	snop  }
0x6: {  	_ = 	snop  }
0x7: {  	_ = 	snop  }
__scs_overlays_trampoline_lowered:
0x8: {  	[smem:$0x3FAE] =	sst s0  }
0x9: {  	[smem:$0x3FAF] =	sst s1  }
0xa: {  	[smem:$0x3FB0] =	sst s2  }
0xb: {  	[smem:$0x3FB1] =	sst s3  }
0xc: {  	[smem:$0x3FB2] =	sst s4  }
0xd: {  	[smem:$0x3FB3] =	sst s5  }
0xe: {  	[smem:$0x3FB4] =	sst s6  }
0xf: {  	[smem:$0x3FB5] =	sst s7  }
0x10: {  	[smem:$0x3FB6] =	sst s8  }
0x11: {  	[smem:$0x3FB7] =	sst s9;
	s0 =	simm.s32 @!p0 $0x0  }
0x12: {  	s1 =	sld [smem:$0x3F9D];
	s0 =	simm.s32 @p0 $0x1  }
0x13: {  	[smem:$0x3FB8] =	sst s0;
	s0 =	simm.s32 @!p1 $0x0  }
0x14: {  	s2 =	sld [smem:$0x3F9C];
	s0 =	simm.s32 @p1 $0x1  }
0x15: {  	[smem:$0x3FB9] =	sst s0;
	s0 =	simm.s32 @!p2 $0x0  }
0x16: {  	s3 =	sld [smem:$0x3FDB];
	s0 =	simm.s32 @p2 $0x1  }
0x17: {  	s4 =	simm.s32 $0x1BF5;
	[smem:$0x3FBB] =	sst s0  }
0x18: {  	s0 =	sld [smem:$0x3F9E];
	_ =	swait.ge [sflag:s4], $0x0  }
0x19: {  	s7 =	sld [smem:$0x3F9F]  }
0x1a: {  	s8 =	sadd.s32 $0xFFFFE003, lr  }
0x1b: {  	s9 =	sadd.s32 $0xFFFFFEF7, lr;
	s5 =	simm.s32 $0xFFFFFFFF;
	p2 =	slt.u32 s8, $0xFFFFF086  }
0x1c: {  	p1 =	slt.u32 s9, $0xF7A;
	s5 =	simm.s32 @!p2 $0x0  }
0x1d: {  	s5 =	simm.s32 @p1 $0x1;
	p0 =	seq.s32 s7, s2  }
0x1e: {  	s7 =	smul.u32 @!p0 $0xF7A, s2;
	p2 =	seq.s32 @!p0 s5, $0x0  }
0x1f: {  	s9 =	smul.u32 $0xF7A, s1;
	s8 =	simm.s32 @!p0 $0x1BF5;
	p2 =	por !p2, p0  }
0x20: {  	[sflag:s8] =	ssyncset.s32 @!p0 $0xFFFFF086;
	s6 =	sadd.s32 @!p0 s3, s7;
	s7 =	simm.s32 @!p0 $0x108  }
0x21: {  	s3 =	sadd.s32 s3, s9;
	s6 =	sadd.s32 @!p0 $0x88, s6;
	s7 =	simm.s32 @p2 $0x1082  }
0x22: {  	[simem:s7], [sflag:s8] =	dma.local @!p0 [hbm:s6], $0xF7A  }
0x23: {  	s9 =	sor.u32 $0xD0000000, s2;
	s6 =	simm.s32 $0x108;
	_ =	swait.ge @!p0 [sflag:s8], $0x0  }
0x24: {  	s3 =	sadd.s32 $0x88, s3;
	s6 =	simm.s32 @!p1 $0x1082;
	[sflag:s4] =	ssyncset.s32 $0xFFFFF086  }
0x25: {  	[simem:s6], [sflag:s4] =	dma.local [hbm:s3], $0xF7A  }
0x26: {  	[smem:$0x3F9F] =	sst s1;
	(tag) =	ssettag s2;
	_ =	strace s9  }
0x27: {  	s1 =	sld [smem:$0x3FAF]  }
0x28: {  	s2 =	sld [smem:$0x3FB0]  }
0x29: {  	s4 =	sld [smem:$0x3FB2]  }
0x2a: {  	p0 =	seq.s32 s5, $0x0;
	s5 =	sld [smem:$0x3FB3]  }
0x2b: {  	s6 =	sld [smem:$0x3FB4]  }
0x2c: {  	s7 =	sld [smem:$0x3FB5]  }
0x2d: {  	s3 =	simm.s32 $0x108;
	s8 =	sld [smem:$0x3FB6]  }
0x2e: {  	s3 =	simm.s32 @!p0 $0x1082;
	s9 =	sld [smem:$0x3FB7]  }
0x2f: {  	lr =	sadd.s32 s0, s3;
	s0 =	sld [smem:$0x3FAE]  }
0x30: {  	s3 =	sld [smem:$0x3FB1]  }
0x31: {  	[smem:$0x3FBA] =	sst s10  }
0x32: {  	s10 =	sld [smem:$0x3FB8];
	_ =	sdelay $0x3  }
0x33: {  	p0 =	seq.s32 s10, $0x1;
	s10 =	sld [smem:$0x3FBA];
	_ =	sdelay $0x3  }
0x34: {  	[smem:$0x3FBA] =	sst s10  }
0x35: {  	s10 =	sld [smem:$0x3FB9];
	_ =	sdelay $0x3  }
0x36: {  	p1 =	seq.s32 s10, $0x1;
	s10 =	sld [smem:$0x3FBA];
	_ =	sdelay $0x3  }
0x37: {  	[smem:$0x3FBA] =	sst s10  }
0x38: {  	s10 =	sld [smem:$0x3FBB]  }
0x39: {  	_ = 	snop;
	(pc) =	sbr.ind lr, $3  }
0x3a: {  	_ = 	snop  }
0x3b: {  	_ = 	snop  }
0x3c: {  	p2 =	seq.s32 s10, $0x1;
	s10 =	sld [smem:$0x3FBA]  }
0x3d: {  	_ =	shalt  }
0x3e: {  	_ =	shalt  }
0x3f: {  	_ =	shalt  }
0x40: {  	_ =	shalt  }
0x41: {  	_ =	shalt  }
0x42: {  	_ =	shalt  }
0x43: {  	_ =	shalt  }
0x44: {  	_ =	shalt  }
0x45: {  	_ =	shalt  }
0x46: {  	_ =	shalt  }
0x47: {  	_ =	shalt  }
0x48: {  	_ =	shalt  }
0x49: {  	_ =	shalt  }
0x4a: {  	_ =	shalt  }
0x4b: {  	_ =	shalt  }
0x4c: {  	_ =	shalt  }
0x4d: {  	_ =	shalt  }
0x4e: {  	_ =	shalt  }
0x4f: {  	_ =	shalt  }
0x50: {  	_ =	shalt  }
0x51: {  	_ =	shalt  }
0x52: {  	_ =	shalt  }
0x53: {  	_ =	shalt  }
0x54: {  	_ =	shalt  }
0x55: {  	_ =	shalt  }
0x56: {  	_ =	shalt  }
0x57: {  	_ =	shalt  }
0x58: {  	_ =	shalt  }
0x59: {  	_ =	shalt  }
0x5a: {  	_ =	shalt  }
0x5b: {  	_ =	shalt  }
0x5c: {  	_ =	shalt  }
0x5d: {  	_ =	shalt  }
0x5e: {  	_ =	shalt  }
0x5f: {  	_ =	shalt  }
0x60: {  	_ =	shalt  }
0x61: {  	_ =	shalt  }
0x62: {  	_ =	shalt  }
0x63: {  	_ =	shalt  }
0x64: {  	_ =	shalt  }
0x65: {  	_ =	shalt  }
0x66: {  	_ =	shalt  }
0x67: {  	_ =	shalt  }
0x68: {  	_ =	shalt  }
0x69: {  	_ =	shalt  }
0x6a: {  	_ =	shalt  }
0x6b: {  	_ =	shalt  }
0x6c: {  	_ =	shalt  }
0x6d: {  	_ =	shalt  }
0x6e: {  	_ =	shalt  }
0x6f: {  	_ =	shalt  }
0x70: {  	_ =	shalt  }
0x71: {  	_ =	shalt  }
0x72: {  	_ =	shalt  }
0x73: {  	_ =	shalt  }
0x74: {  	_ =	shalt  }
0x75: {  	_ =	shalt  }
0x76: {  	_ =	shalt  }
0x77: {  	_ =	shalt  }
0x78: {  	_ =	shalt  }
0x79: {  	_ =	shalt  }
0x7a: {  	_ =	shalt  }
0x7b: {  	_ =	shalt  }
0x7c: {  	_ =	shalt  }
0x7d: {  	_ =	shalt  }
0x7e: {  	_ =	shalt  }
0x7f: {  	_ =	shalt  }
0x80: {  	_ =	shalt  }
0x81: {  	_ =	shalt  }
0x82: {  	_ =	shalt  }
0x83: {  	_ =	shalt  }
0x84: {  	_ =	shalt  }
0x85: {  	_ =	shalt  }
0x86: {  	_ =	shalt  }
0x87: {  	_ =	shalt  }
.Lfunc_end0:
.L_simem_size_0:
called_computation_lowered:
.L_overlay_start_0:
0x88: {  	s2 =	sld [smem:$0x3FD9]  }
0x89: {  	s3 =	sld [smem:$0x3FFE];
	_ =	sdelay $0x1  }
0x8a: {  	s1 =	srdreg.scid  }
0x8b: {  	s0 =	sand.u32 $0x1, s1  }
0x8c: {  	s17 =	sshll.u32 s0, $0xA;
	s2 =	sadd.s32 s3, s2  }
0x8d: {  	s2 =	sadd.s32 s2, s17  }
0x8e: {  	[smem:$0x3FC6] =	sst s2  }
0x8f: {  	_ = 	snop  }
0x90: {  	s2 =	sld [smem:$0x3FD0];
	(tm) =	ssettm $0x1  }
0x91: {  	s18 =	sld [smem:$0x3FFB];
	_ =	sdelay $0x3  }
0x92: {  	_ =	strace s18  }
0x93: {  	s3 =	sld [smem:$0x3FFC];
	_ =	sdelay $0x3  }
0x94: {  	_ =	strace s3  }
0x95: {  	s3 =	sld [smem:$0x3FFD];
	_ =	sdelay $0x3  }
0x96: {  	_ =	strace s3  }
0x97: {  	_ =	strace $0x8FFFFFFF  }
0x98: {  	s19 =	sld [smem:$0x3FDB];
	_ =	sdelay $0x1  }
0x99: {  	s4 =	simm.s32 $_scs_section_size  }
0x9a: {  	s5 =	simm.s32 $_size__tile_overlayer_lowered;
	s6 =	simm.s32 $_tile_overlayer_lowered  }
0x9b: {  	s22 =	simm.s32 $0x1BFF;
	s21 =	sshll.u32 s6, $0x1;
	s3 =	sadd.s32 s4, s19  }
0x9c: {  	s7 =	simm.s32 $0x0;
	s20 =	sshll.u32 s5, $0x1;
	s5 =	sadd.s32 s21, s3  }
0x9d: {  	[timem:s7], [sflag:s22] =	dma.local [hbm:s5], s20  }
0x9e: {  	_ =	swait.ge [sflag:s22], s20  }
0x9f: {  	s4 =	ssub.s32 $0x0, s20;
	[sflag:s22] =	ssyncset.done $0x0  }
0xa0: {  	[sflag:s22] =	ssyncadd.s32 s4;
	_ =	sdelay $0x1  }
0xa1: {  	s23 =	simm.s32 $0x1B8B  }
0xa2: {  	_ =	swait.ge [sflag:s23], $0x1  }
0xa3: {  	[sflag:s23] =	ssyncset.done $0x0  }
0xa4: {  	s25 =	simm.s32 $0x1B8E;
	s24 =	sld [smem:$0x3FFE];
	[sflag:s23] =	ssyncadd.s32 $0xFFFFFFFF  }
0xa5: {  	s26 =	simm.s32 $execute0_lowered;
	[smem:$0x3FD2] =	sst s25  }
0xa6: {  	s5 =	sshll.u32 s26, $0x1;
	_ =	strace $0x80000046;
	[dreg:$0x1] =	wrdreg $0xFFFFFFFF  }
0xa7: {  	s28 =	simm.s32 $_size_execute0_lowered;
	s3 =	sadd.s32 s3, s5;
	[dreg:$0x0] =	wrdreg $0x0  }
0xa8: {  	s5 =	sshll.u32 s28, $0x1;
	[dreg:$0x2] =	wrdreg s3  }
0xa9: {  	[dreg:$0x3] =	wrdreg s5  }
0xaa: {  	[dreg:$0x4] =	wrdreg $0xC0  }
0xab: {  	_ =	task [dreg:s7], $0x5FFFF  }
0xac: {  	[dreg:$0x1] =	wrdreg $0xFFFFFFFF  }
0xad: {  	[dreg:$0x0] =	wrdreg $0x60  }
0xae: {  	[dreg:$0x2] =	wrdreg s24  }
0xaf: {  	[dreg:$0x3] =	wrdreg s2  }
0xb0: {  	[dreg:$0x4] =	wrdreg $0x9  }
0xb1: {  	_ =	task.clear_ibuf [dreg:s7], $0x5FFFF;
	_ =	strace $0x90000046  }
0xb2: {  	s29 =	simm.s32 $0x9;
	_ =	strace $0x80000048  }
0xb3: {  	_ =	swait.ge [sflag:s29], $0x1  }
0xb4: {  	[sflag:s29] =	ssyncadd.s32 $0xFFFFFFFF  }
0xb5: {  	_ =	strace $0x90000048  }
0xb6: {  	_ =	sfence  }
0xb7: {  	s30 =	sld [smem:$0x0];
	_ =	sdelay $0x2  }
0xb8: {  	s31 =	sshll.u32 s1, $0xD;
	s1 =	sshrl.u32 s1, $0x2  }
0xb9: {  	s3 =	sand.u32 $0x4000, s31;
	s1 =	sadd.s32 s1, s30  }
0xba: {  	s0 =	sor.u32 s3, s0;
	s1 =	sshll.u32 s1, $0x11  }
0xbb: {  	s0 =	sor.u32 s1, s0  }
0xbc: {  	s0 =	sadd.s32 $0x8F2B, s0  }
0xbd: {  	[sflag:s0] =	ssyncadd.remote.s32 $0x1  }
0xbe: {  	_ =	sfence.sel $0xFFFF  }
0xbf: {  	[dreg:$0x0] =	wrdreg $0xFFFFFFFF;
	(pc) =	sbr.abs _section_cstart, $3  }
0xc0: {  	[dreg:$0x1] =	wrdreg $0xFFFFFFFF  }
0xc1: {  	_ =	task.clear_ibuf [dreg:s7], $0x2FFFF;
	_ =	strace $0x9FFFFFFF  }
0xc2: {  	(tm) =	ssettm $0x7FFFFFFF  }
0xc3: {  	_ =	shalt  }
tec
execute0_lowered:
.L_overlay_start_1:
0x0: {  	(tag) =	ssettag $0x1  }
0x1: {  	s3 =	rddreg [dreg:$0x0];
	s1 =	srdreg.scid  }
0x2: {  	s0 =	stileid.u32;
	s5 =	rddreg [dreg:$0x1];
	s2 =	simm.s32 $0x0  }
0x3: {  	s4 =	sand.u32 $0x1, s1;
	s6 =	sshll.u32 s0, $0x1;
	s1 =	rddreg [dreg:$0x2]  }
0x4: {  	v0 =	vlaneseq.u32;
	[smem:$0x7FF] =	sst s2;
	s8 =	sshll.u32 s0, $0xB;
	s6 =	sor.u32 s4, s6  }
0x5: {  	v0 =	vmul.u32 $0x32, v0;
	s7 =	ssub.s32 $0x2, s4;
	s4 =	sshll.u32 s4, $0xA;
	_ =	strace $0x80000047  }
0x6: {  	s6 =	smul.u32 $0x320, s6;
	s4 =	sor.u32 s4, s8;
	s29 =	sshrl.u32 s7, $0x1  }
0x7: {  	v8 =	vimm.f32 $1.000000000e+00;
	v1 =	vadd.s32 $0x320, v0;
	s8 =	simm.s32 $0x0;
	s30 =	ssub.s32 s7, s29;
	s31 =	sshrl.u32 s4, $0x3  }
0x8: {  	v2 =	vadd.s32 $0x640, v0;
	v3 =	vadd.s32 $0x960, v0;
	v4 =	vadd.s32 $0xC80, v0;
	s7 =	simm.s32 $0x1;
	s3 =	sadd.s32 s6, s3;
	s4 =	smax.u32 s30, $0x1  }
0x9: {  	v5 =	vadd.s32 $0xFA0, v0;
	v6 =	vadd.s32 $0x12C0, v0;
	v7 =	vadd.s32 $0x15E0, v0;
	s5 =	sadd.s32 s31, s5;
	s6 =	simm.s32 $0x2;
	s3 =	sadd.s32 $0x400, s3  }
.LBB2_1:
0xa: {  	[tilespmem:s2], [sflag:$0x2] =	stream.linear.gather [hbm4b:s3+s2], $0x1900, $0x38;
	[tilespmem:$0xB180] =	vst v63  }
0xb: {  	_ =	swait.ge [sflag:s6], $0x1900  }
0xc: {  	[sflag:s6] =	ssyncset.done $0x0  }
0xd: {  	s9 =	smov.u32 s5;
	s10 =	simm.s32 $0x0;
	[sflag:s6] =	ssyncadd.s32 $0xFFFFE700  }
.LBB2_2:
0xe: {  	v9 =	vadd.s32 s10, v0;
	_ =	sdelay $0x3  }
0xf: {  	s11 =	simm.s32 $0x0  }
0x10: {  	v9 =	vld.idx.msk [tilespmem:v9+s11+$0x0], $0xffff  }
0x11: {  	v10 =	vadd.s32 s10, v1;
	_ =	sdelay $0x3  }
0x12: {  	[tilespmem:$0x1900] =	vst v9  }
0x13: {  	v9 =	vld.idx.msk [tilespmem:v10+s11+$0x0], $0xffff  }
0x14: {  	v10 =	vadd.s32 s10, v2;
	_ =	sdelay $0x3  }
0x15: {  	[tilespmem:$0x1910] =	vst v9  }
0x16: {  	v9 =	vld.idx.msk [tilespmem:v10+s11+$0x0], $0xffff  }
0x17: {  	v10 =	vadd.s32 s10, v3;
	_ =	sdelay $0x3  }
0x18: {  	[tilespmem:$0x1920] =	vst v9  }
0x19: {  	v9 =	vld.idx.msk [tilespmem:v10+s11+$0x0], $0xffff  }
0x1a: {  	v10 =	vadd.s32 s10, v4;
	_ =	sdelay $0x3  }
0x1b: {  	[tilespmem:$0x1930] =	vst v9  }
0x1c: {  	v9 =	vld.idx.msk [tilespmem:v10+s11+$0x0], $0xffff  }
0x1d: {  	v10 =	vadd.s32 s10, v5;
	_ =	sdelay $0x3  }
0x1e: {  	[tilespmem:$0x1940] =	vst v9  }
0x1f: {  	v9 =	vld.idx.msk [tilespmem:v10+s11+$0x0], $0xffff  }
0x20: {  	v10 =	vadd.s32 s10, v6;
	_ =	sdelay $0x3  }
0x21: {  	[tilespmem:$0x1950] =	vst v9  }
0x22: {  	v9 =	vld.idx.msk [tilespmem:v10+s11+$0x0], $0xffff  }
0x23: {  	v10 =	vadd.s32 s10, v7;
	_ =	sdelay $0x3  }
0x24: {  	[tilespmem:$0x1960] =	vst v9  }
0x25: {  	v9 =	vld.idx.msk [tilespmem:v10+s11+$0x0], $0xffff;
	_ =	sdelay $0x4  }
0x26: {  	s11 =	simm.s32 $0x0;
	[tilespmem:$0x1970] =	vst v9  }
0x27: {  	[tilespmem:s11+$0x1990] =	vst v8  }
0x28: {  	[tilespmem:s11+$0x19A0] =	vst v8  }
0x29: {  	[tilespmem:s11+$0x19B0] =	vst v8  }
0x2a: {  	[tilespmem:s11+$0x19C0] =	vst v8  }
0x2b: {  	[tilespmem:s11+$0x19D0] =	vst v8  }
0x2c: {  	[tilespmem:s11+$0x19E0] =	vst v8  }
0x2d: {  	[tilespmem:s11+$0x19F0] =	vst v8  }
0x2e: {  	[tilespmem:s11+$0x1A00] =	vst v8  }
0x2f: {  	[tilespmem:s11+$0x1A10] =	vst v8  }
0x30: {  	[tilespmem:s11+$0x1A20] =	vst v8  }
0x31: {  	[tilespmem:s11+$0x1A30] =	vst v8  }
0x32: {  	[tilespmem:s11+$0x1A40] =	vst v8  }
0x33: {  	[tilespmem:s11+$0x1A50] =	vst v8  }
0x34: {  	[tilespmem:s11+$0x1A60] =	vst v8  }
0x35: {  	[tilespmem:s11+$0x1A70] =	vst v8  }
0x36: {  	[tilespmem:s11+$0x1A80] =	vst v8  }
0x37: {  	[tilespmem:s11+$0x1A90] =	vst v8  }
0x38: {  	[tilespmem:s11+$0x1AA0] =	vst v8  }
0x39: {  	[tilespmem:s11+$0x1AB0] =	vst v8  }
0x3a: {  	[tilespmem:s11+$0x1AC0] =	vst v8  }
0x3b: {  	[tilespmem:s11+$0x1AD0] =	vst v8  }
0x3c: {  	[tilespmem:s11+$0x1AE0] =	vst v8  }
0x3d: {  	[tilespmem:s11+$0x1AF0] =	vst v8  }
0x3e: {  	[tilespmem:s11+$0x1B00] =	vst v8  }
0x3f: {  	[tilespmem:s11+$0x1B10] =	vst v8  }
0x40: {  	[tilespmem:s11+$0x1B20] =	vst v8  }
0x41: {  	[tilespmem:s11+$0x1B30] =	vst v8  }
0x42: {  	[tilespmem:s11+$0x1B40] =	vst v8  }
0x43: {  	[tilespmem:s11+$0x1B50] =	vst v8  }
0x44: {  	[tilespmem:s11+$0x1B60] =	vst v8  }
0x45: {  	[tilespmem:s11+$0x1B70] =	vst v8  }
0x46: {  	[tilespmem:s11+$0x1B80] =	vst v8  }
0x47: {  	[tilespmem:s11+$0x1B90] =	vst v8  }
0x48: {  	[tilespmem:s11+$0x1BA0] =	vst v8  }
0x49: {  	[tilespmem:s11+$0x1BB0] =	vst v8  }
0x4a: {  	[tilespmem:s11+$0x1BC0] =	vst v8  }
0x4b: {  	[tilespmem:s11+$0x1BD0] =	vst v8  }
0x4c: {  	[tilespmem:s11+$0x1BE0] =	vst v8  }
0x4d: {  	[tilespmem:s11+$0x1BF0] =	vst v8  }
0x4e: {  	[tilespmem:s11+$0x1C00] =	vst v8  }
0x4f: {  	[tilespmem:s11+$0x1C10] =	vst v8  }
0x50: {  	[tilespmem:s11+$0x1C20] =	vst v8  }
0x51: {  	[tilespmem:s11+$0x1C30] =	vst v8  }
0x52: {  	[tilespmem:s11+$0x1C40] =	vst v8  }
0x53: {  	[tilespmem:s11+$0x1C50] =	vst v8  }
0x54: {  	[tilespmem:s11+$0x1C60] =	vst v8  }
0x55: {  	[tilespmem:s11+$0x1C70] =	vst v8  }
0x56: {  	[tilespmem:s11+$0x1C80] =	vst v8  }
0x57: {  	[tilespmem:s11+$0x1C90] =	vst v8  }
0x58: {  	[tilespmem:s11+$0x1CA0] =	vst v8  }
0x59: {  	[tilespmem:s11+$0x1CB0] =	vst v8  }
0x5a: {  	[tilespmem:s11+$0x1CC0] =	vst v8  }
0x5b: {  	[tilespmem:s11+$0x1CD0] =	vst v8  }
0x5c: {  	[tilespmem:s11+$0x1CE0] =	vst v8  }
0x5d: {  	[tilespmem:s11+$0x1CF0] =	vst v8  }
0x5e: {  	[tilespmem:s11+$0x1D00] =	vst v8  }
0x5f: {  	[tilespmem:s11+$0x1D10] =	vst v8  }
0x60: {  	[tilespmem:s11+$0x1D20] =	vst v8  }
0x61: {  	[tilespmem:s11+$0x1D30] =	vst v8  }
0x62: {  	[tilespmem:s11+$0x1D40] =	vst v8  }
0x63: {  	[tilespmem:s11+$0x1D50] =	vst v8  }
0x64: {  	s13 =	sadd.s32 $0x0, s9;
	s12 =	simm.s32 $0x1000;
	[tilespmem:s11+$0x1D60] =	vst v8  }
.LBB2_3:
0x65: {  	s14 =	sshra.s32 s12, $0x2;
	p0 =	sne.s32 s12, $0x25000;
	s15 =	sadd.s32 $0x1980, s11;
	[tilespmem:s11+$0x1D70] =	vst v8  }
0x66: {  	[tilespmem:s11+$0x1980] =	vst v8;
	[hbm4b:s13+s2] =	stream.linear.scatter [tilespmem:s15], [sflag:$0x1], $0x400, $0x38  }
0x67: {  	s11 =	smov.u32 s14;
	[tilespmem:s14+$0x1990] =	vst v8  }
0x68: {  	[tilespmem:s11+$0x19A0] =	vst v8  }
0x69: {  	[tilespmem:s11+$0x19B0] =	vst v8  }
0x6a: {  	[tilespmem:s11+$0x19C0] =	vst v8  }
0x6b: {  	[tilespmem:s11+$0x19D0] =	vst v8  }
0x6c: {  	[tilespmem:s11+$0x19E0] =	vst v8  }
0x6d: {  	[tilespmem:s11+$0x19F0] =	vst v8  }
0x6e: {  	[tilespmem:s11+$0x1A00] =	vst v8  }
0x6f: {  	[tilespmem:s11+$0x1A10] =	vst v8  }
0x70: {  	[tilespmem:s11+$0x1A20] =	vst v8  }
0x71: {  	[tilespmem:s11+$0x1A30] =	vst v8  }
0x72: {  	[tilespmem:s11+$0x1A40] =	vst v8  }
0x73: {  	[tilespmem:s11+$0x1A50] =	vst v8  }
0x74: {  	[tilespmem:s11+$0x1A60] =	vst v8  }
0x75: {  	[tilespmem:s11+$0x1A70] =	vst v8  }
0x76: {  	[tilespmem:s11+$0x1A80] =	vst v8  }
0x77: {  	[tilespmem:s11+$0x1A90] =	vst v8  }
0x78: {  	[tilespmem:s11+$0x1AA0] =	vst v8  }
0x79: {  	[tilespmem:s11+$0x1AB0] =	vst v8  }
0x7a: {  	[tilespmem:s11+$0x1AC0] =	vst v8  }
0x7b: {  	[tilespmem:s11+$0x1AD0] =	vst v8  }
0x7c: {  	[tilespmem:s11+$0x1AE0] =	vst v8  }
0x7d: {  	[tilespmem:s11+$0x1AF0] =	vst v8  }
0x7e: {  	[tilespmem:s11+$0x1B00] =	vst v8  }
0x7f: {  	[tilespmem:s11+$0x1B10] =	vst v8  }
0x80: {  	[tilespmem:s11+$0x1B20] =	vst v8  }
0x81: {  	[tilespmem:s11+$0x1B30] =	vst v8  }
0x82: {  	[tilespmem:s11+$0x1B40] =	vst v8  }
0x83: {  	[tilespmem:s11+$0x1B50] =	vst v8  }
0x84: {  	[tilespmem:s11+$0x1B60] =	vst v8  }
0x85: {  	[tilespmem:s11+$0x1B70] =	vst v8  }
0x86: {  	[tilespmem:s11+$0x1B80] =	vst v8  }
0x87: {  	[tilespmem:s11+$0x1B90] =	vst v8  }
0x88: {  	[tilespmem:s11+$0x1BA0] =	vst v8  }
0x89: {  	[tilespmem:s11+$0x1BB0] =	vst v8  }
0x8a: {  	[tilespmem:s11+$0x1BC0] =	vst v8  }
0x8b: {  	[tilespmem:s11+$0x1BD0] =	vst v8  }
0x8c: {  	[tilespmem:s11+$0x1BE0] =	vst v8  }
0x8d: {  	[tilespmem:s11+$0x1BF0] =	vst v8  }
0x8e: {  	[tilespmem:s11+$0x1C00] =	vst v8  }
0x8f: {  	[tilespmem:s11+$0x1C10] =	vst v8  }
0x90: {  	[tilespmem:s11+$0x1C20] =	vst v8  }
0x91: {  	[tilespmem:s11+$0x1C30] =	vst v8  }
0x92: {  	[tilespmem:s11+$0x1C40] =	vst v8  }
0x93: {  	[tilespmem:s11+$0x1C50] =	vst v8  }
0x94: {  	[tilespmem:s11+$0x1C60] =	vst v8  }
0x95: {  	[tilespmem:s11+$0x1C70] =	vst v8  }
0x96: {  	[tilespmem:s11+$0x1C80] =	vst v8  }
0x97: {  	[tilespmem:s11+$0x1C90] =	vst v8  }
0x98: {  	[tilespmem:s11+$0x1CA0] =	vst v8  }
0x99: {  	[tilespmem:s11+$0x1CB0] =	vst v8  }
0x9a: {  	[tilespmem:s11+$0x1CC0] =	vst v8  }
0x9b: {  	[tilespmem:s11+$0x1CD0] =	vst v8  }
0x9c: {  	[tilespmem:s11+$0x1CE0] =	vst v8  }
0x9d: {  	[tilespmem:s11+$0x1CF0] =	vst v8  }
0x9e: {  	[tilespmem:s11+$0x1D00] =	vst v8  }
0x9f: {  	[tilespmem:s11+$0x1D10] =	vst v8  }
.Ltmp0:
0xa0: {  	[tilespmem:s11+$0x1D20] =	vst v8;
	(pc) =	sbr.rel @p0 .LBB2_3-.Ltmp0, $4  }
0xa1: {  	[tilespmem:s11+$0x1D30] =	vst v8  }
0xa2: {  	[tilespmem:s11+$0x1D40] =	vst v8  }
0xa3: {  	[tilespmem:s11+$0x1D50] =	vst v8  }
0xa4: {  	s13 =	sadd.s32 s12, s9;
	s12 =	sadd.s32 $0x1000, s12;
	[tilespmem:s11+$0x1D60] =	vst v8  }
0xa5: {  	[tilespmem:s11+$0x1D70] =	vst v8  }
0xa6: {  	s12 =	sadd.s32 $0x1980, s11;
	[tilespmem:s11+$0x1980] =	vst v8  }
0xa7: {  	[hbm4b:s13+s2] =	stream.linear.scatter [tilespmem:s12], [sflag:$0x1], $0x400, $0x38;
	[tilespmem:$0xB180] =	vst v63  }
0xa8: {  	_ =	swait.ge [sflag:s7], $0x400  }
0xa9: {  	[sflag:s7] =	ssyncset.done $0x0  }
0xaa: {  	[sflag:s7] =	ssyncadd.s32 $0xFFFFFC00  }
0xab: {  	_ =	swait.ge [sflag:s7], $0x400  }
0xac: {  	[sflag:s7] =	ssyncset.done $0x0  }
0xad: {  	[sflag:s7] =	ssyncadd.s32 $0xFFFFFC00  }
0xae: {  	_ =	swait.ge [sflag:s7], $0x400  }
0xaf: {  	[sflag:s7] =	ssyncset.done $0x0  }
0xb0: {  	[sflag:s7] =	ssyncadd.s32 $0xFFFFFC00  }
0xb1: {  	_ =	swait.ge [sflag:s7], $0x400  }
0xb2: {  	[sflag:s7] =	ssyncset.done $0x0  }
0xb3: {  	[sflag:s7] =	ssyncadd.s32 $0xFFFFFC00  }
0xb4: {  	_ =	swait.ge [sflag:s7], $0x400  }
0xb5: {  	[sflag:s7] =	ssyncset.done $0x0  }
0xb6: {  	[sflag:s7] =	ssyncadd.s32 $0xFFFFFC00  }
0xb7: {  	_ =	swait.ge [sflag:s7], $0x400  }
0xb8: {  	[sflag:s7] =	ssyncset.done $0x0  }
0xb9: {  	[sflag:s7] =	ssyncadd.s32 $0xFFFFFC00  }
0xba: {  	_ =	swait.ge [sflag:s7], $0x400  }
0xbb: {  	[sflag:s7] =	ssyncset.done $0x0  }
0xbc: {  	[sflag:s7] =	ssyncadd.s32 $0xFFFFFC00  }
0xbd: {  	_ =	swait.ge [sflag:s7], $0x400  }
0xbe: {  	[sflag:s7] =	ssyncset.done $0x0  }
0xbf: {  	[sflag:s7] =	ssyncadd.s32 $0xFFFFFC00  }
0xc0: {  	_ =	swait.ge [sflag:s7], $0x400  }
0xc1: {  	[sflag:s7] =	ssyncset.done $0x0  }
0xc2: {  	[sflag:s7] =	ssyncadd.s32 $0xFFFFFC00  }
0xc3: {  	_ =	swait.ge [sflag:s7], $0x400  }
0xc4: {  	[sflag:s7] =	ssyncset.done $0x0  }
0xc5: {  	[sflag:s7] =	ssyncadd.s32 $0xFFFFFC00  }
0xc6: {  	_ =	swait.ge [sflag:s7], $0x400  }
0xc7: {  	[sflag:s7] =	ssyncset.done $0x0  }
0xc8: {  	[sflag:s7] =	ssyncadd.s32 $0xFFFFFC00  }
0xc9: {  	_ =	swait.ge [sflag:s7], $0x400  }
0xca: {  	[sflag:s7] =	ssyncset.done $0x0  }
0xcb: {  	[sflag:s7] =	ssyncadd.s32 $0xFFFFFC00  }
0xcc: {  	_ =	swait.ge [sflag:s7], $0x400  }
0xcd: {  	[sflag:s7] =	ssyncset.done $0x0  }
0xce: {  	[sflag:s7] =	ssyncadd.s32 $0xFFFFFC00  }
0xcf: {  	_ =	swait.ge [sflag:s7], $0x400  }
0xd0: {  	[sflag:s7] =	ssyncset.done $0x0  }
0xd1: {  	[sflag:s7] =	ssyncadd.s32 $0xFFFFFC00  }
0xd2: {  	_ =	swait.ge [sflag:s7], $0x400  }
0xd3: {  	[sflag:s7] =	ssyncset.done $0x0  }
0xd4: {  	[sflag:s7] =	ssyncadd.s32 $0xFFFFFC00  }
0xd5: {  	_ =	swait.ge [sflag:s7], $0x400  }
0xd6: {  	[sflag:s7] =	ssyncset.done $0x0  }
0xd7: {  	[sflag:s7] =	ssyncadd.s32 $0xFFFFFC00  }
0xd8: {  	_ =	swait.ge [sflag:s7], $0x400  }
0xd9: {  	[sflag:s7] =	ssyncset.done $0x0  }
0xda: {  	[sflag:s7] =	ssyncadd.s32 $0xFFFFFC00  }
0xdb: {  	_ =	swait.ge [sflag:s7], $0x400  }
0xdc: {  	[sflag:s7] =	ssyncset.done $0x0  }
0xdd: {  	[sflag:s7] =	ssyncadd.s32 $0xFFFFFC00  }
0xde: {  	_ =	swait.ge [sflag:s7], $0x400  }
0xdf: {  	[sflag:s7] =	ssyncset.done $0x0  }
0xe0: {  	[sflag:s7] =	ssyncadd.s32 $0xFFFFFC00  }
0xe1: {  	_ =	swait.ge [sflag:s7], $0x400  }
0xe2: {  	[sflag:s7] =	ssyncset.done $0x0  }
0xe3: {  	[sflag:s7] =	ssyncadd.s32 $0xFFFFFC00  }
0xe4: {  	_ =	swait.ge [sflag:s7], $0x400  }
0xe5: {  	[sflag:s7] =	ssyncset.done $0x0  }
0xe6: {  	[sflag:s7] =	ssyncadd.s32 $0xFFFFFC00  }
0xe7: {  	_ =	swait.ge [sflag:s7], $0x400  }
0xe8: {  	[sflag:s7] =	ssyncset.done $0x0  }
0xe9: {  	[sflag:s7] =	ssyncadd.s32 $0xFFFFFC00  }
0xea: {  	_ =	swait.ge [sflag:s7], $0x400  }
0xeb: {  	[sflag:s7] =	ssyncset.done $0x0  }
0xec: {  	[sflag:s7] =	ssyncadd.s32 $0xFFFFFC00  }
0xed: {  	_ =	swait.ge [sflag:s7], $0x400  }
0xee: {  	[sflag:s7] =	ssyncset.done $0x0  }
0xef: {  	[sflag:s7] =	ssyncadd.s32 $0xFFFFFC00  }
0xf0: {  	_ =	swait.ge [sflag:s7], $0x400  }
0xf1: {  	[sflag:s7] =	ssyncset.done $0x0  }
0xf2: {  	[sflag:s7] =	ssyncadd.s32 $0xFFFFFC00  }
0xf3: {  	_ =	swait.ge [sflag:s7], $0x400  }
0xf4: {  	[sflag:s7] =	ssyncset.done $0x0  }
0xf5: {  	[sflag:s7] =	ssyncadd.s32 $0xFFFFFC00  }
0xf6: {  	_ =	swait.ge [sflag:s7], $0x400  }
0xf7: {  	[sflag:s7] =	ssyncset.done $0x0  }
0xf8: {  	[sflag:s7] =	ssyncadd.s32 $0xFFFFFC00  }
0xf9: {  	_ =	swait.ge [sflag:s7], $0x400  }
0xfa: {  	[sflag:s7] =	ssyncset.done $0x0  }
0xfb: {  	[sflag:s7] =	ssyncadd.s32 $0xFFFFFC00  }
0xfc: {  	_ =	swait.ge [sflag:s7], $0x400  }
0xfd: {  	[sflag:s7] =	ssyncset.done $0x0  }
0xfe: {  	[sflag:s7] =	ssyncadd.s32 $0xFFFFFC00  }
0xff: {  	_ =	swait.ge [sflag:s7], $0x400  }
0x100: {  	[sflag:s7] =	ssyncset.done $0x0  }
0x101: {  	[sflag:s7] =	ssyncadd.s32 $0xFFFFFC00  }
0x102: {  	_ =	swait.ge [sflag:s7], $0x400  }
0x103: {  	[sflag:s7] =	ssyncset.done $0x0  }
0x104: {  	[sflag:s7] =	ssyncadd.s32 $0xFFFFFC00  }
0x105: {  	_ =	swait.ge [sflag:s7], $0x400  }
0x106: {  	[sflag:s7] =	ssyncset.done $0x0  }
0x107: {  	[sflag:s7] =	ssyncadd.s32 $0xFFFFFC00  }
0x108: {  	_ =	swait.ge [sflag:s7], $0x400  }
0x109: {  	[sflag:s7] =	ssyncset.done $0x0  }
0x10a: {  	[sflag:s7] =	ssyncadd.s32 $0xFFFFFC00  }
0x10b: {  	_ =	swait.ge [sflag:s7], $0x400  }
0x10c: {  	[sflag:s7] =	ssyncset.done $0x0  }
0x10d: {  	[sflag:s7] =	ssyncadd.s32 $0xFFFFFC00  }
0x10e: {  	_ =	swait.ge [sflag:s7], $0x400  }
0x10f: {  	[sflag:s7] =	ssyncset.done $0x0  }
0x110: {  	[sflag:s7] =	ssyncadd.s32 $0xFFFFFC00  }
0x111: {  	_ =	swait.ge [sflag:s7], $0x400  }
0x112: {  	[sflag:s7] =	ssyncset.done $0x0  }
0x113: {  	s10 =	sadd.s32 $0x1, s10;
	[sflag:s7] =	ssyncadd.s32 $0xFFFFFC00  }
0x114: {  	p0 =	sne.s32 s10, $0x32;
	_ =	swait.ge [sflag:s7], $0x400  }
.Ltmp1:
0x115: {  	[sflag:s7] =	ssyncset.done $0x0;
	(pc) =	sbr.rel @p0 .LBB2_2-.Ltmp1, $4  }
0x116: {  	[sflag:s7] =	ssyncadd.s32 $0xFFFFFC00  }
0x117: {  	_ =	swait.ge [sflag:s7], $0x400  }
0x118: {  	[sflag:s7] =	ssyncset.done $0x0  }
0x119: {  	s9 =	sadd.s32 $0x26000, s9;
	[sflag:s7] =	ssyncadd.s32 $0xFFFFFC00  }
0x11a: {  	s8 =	sadd.s32 $0x1, s8  }
0x11b: {  	p0 =	sne.s32 s8, s4  }
.Ltmp2:
0x11c: {  	_ = 	snop;
	(pc) =	sbr.rel @p0 .LBB2_1-.Ltmp2, $1  }
0x11d: {  	_ =	sdelay $0x3  }
0x11e: {  	_ =	sfence.sel $0x180000  }
0x11f: {  	[bflag:$0x0] =	sbarrier.arrive $0xFFFF  }
0x120: {  	p0 =	sne.s32 s0, $0x0;
	_ =	strace $0x90000047  }
0x121: {  	s0 =	sadd.s32 @!p0 $0x100000, s1;
	[bflag:$0x2] =	sbarrier.arrive $0xFFFF  }
0x122: {  	[sflag:s0] =	ssyncadd.tile.s32 @!p0 $0x1;
	_ =	shalt  }
.Lfunc_end2:
_tile_overlayer_lowered:
.L_overlay_start_2:
0x123: {  	(tag) =	ssettag $0x2  }
0x124: {  	s0 =	rddreg [dreg:$0x0];
	s2 =	stileid.u32  }
0x125: {  	s1 =	rddreg [dreg:$0x1];
	p0 =	sne.s32 s2, $0x0  }
0x126: {  	s3 =	rddreg [dreg:$0x2];
	[bflag:$0x3] =	sbarrier.arrive $0xFFFF;
	s2 =	simm.s32 @!p0 $0x1C02  }
0x127: {  	[timem:s3], [sflag:s2] =	dma.local @!p0 [hbm:s0], s1  }
0x128: {  	s0 =	simm.s32 @!p0 $0x2  }
0x129: {  	_ =	swait.ge @!p0 [sflag:s0], s1  }
0x12a: {  	s1 =	ssub.s32 @!p0 $0x0, s1;
	[sflag:s0] =	ssyncset.done @!p0 $0x0  }
0x12b: {  	[sflag:s0] =	ssyncadd.s32 @!p0 s1  }
0x12c: {  	[bflag:$0x3] =	sbarrier.arrive $0xFFFF  }
0x12d: {  	_ =	shalt  }

</sc_bundles>
